<compile_context>
chip_gen: v7x
topology: tpu7x:2x2x1
jax: 0.10.2.dev20260603
libtpu: 0.0.44.dev20260713+nightly
codegen_flags: <defaults>
</compile_context>

<pallas_src>
import functools

import jax
import jax.numpy as jnp
from jax import lax
from jax.experimental import pallas as pl
from jax.experimental.pallas import tpu as pltpu
from jax.experimental.pallas import tpu_sc as plsc

_N = 64
_D = 128
_S = 8


def _phase_a(fa_ref, fb_ref, wmlp_ref, bmlp_ref, att_ref, emb_ref, pp_ref):
    fa = fa_ref[...]
    fb = fb_ref[...]
    for i in range(_S):
        f_msg = fb if i in (0, 1, 6, 7) else fa
        f_src = fa if i < 4 else fb
        emb_i = jnp.dot(f_msg, wmlp_ref[i], preferred_element_type=jnp.float32)
        emb_i = emb_i + bmlp_ref[i][None, :]
        emb_ref[pl.ds(i * _N, _N), :] = emb_i
        att_i = att_ref[i]
        pa = jnp.sum(f_src * att_i[None, :_D], axis=1)
        pb = jnp.sum(emb_i * att_i[None, _D:], axis=1)
        pp_ref[pl.ds(i, 1), :] = jnp.reshape(
            jnp.concatenate([pa, pb]), (1, 2 * _N))


_sc_mesh = plsc.VectorSubcoreMesh(core_axis_name="c", subcore_axis_name="s")


@functools.partial(
    pl.kernel,
    out_type=jax.ShapeDtypeStruct((_S * _N, _D), jnp.float32),
    mesh=_sc_mesh,
    compiler_params=pltpu.CompilerParams(needs_layout_passes=False),
    scratch_types=[
        pltpu.VMEM((64,), jnp.int32),
        pltpu.VMEM((2 * _N,), jnp.float32),
        pltpu.VMEM((_N, _N), jnp.float32),
        pltpu.VMEM((32,), jnp.int32),
        pltpu.VMEM((16,), jnp.int32),
        pltpu.VMEM((32, _D), jnp.float32),
        pltpu.VMEM((16, _D), jnp.float32),
        pltpu.SemaphoreType.DMA,
        pltpu.SemaphoreType.DMA,
        pltpu.SemaphoreType.DMA,
        pltpu.SemaphoreType.DMA,
    ],
)
def _sc_messages(emb_hbm, pp_hbm, edges_hbm, mat_hbm, out_hbm,
                 e_v, pp_v, mat_v, idx_v, oidx_v,
                 rows_v, outbuf_v, sem, sem_e, sem_p, sem_m):
    wid = lax.axis_index("s") * 2 + lax.axis_index("c")
    slot = wid // 4
    chunk = wid - slot * 4
    base = slot * _N

    cp_e = pltpu.async_copy(edges_hbm.at[slot, pl.ds(chunk * 64, 64)], e_v,
                            sem_e)
    cp_p = pltpu.async_copy(pp_hbm.at[slot], pp_v, sem_p)
    cp_m = pltpu.async_copy(mat_hbm, mat_v, sem_m)
    cp_e.wait()

    lanes = lax.iota(jnp.int32, 16)
    src0 = plsc.load_gather(e_v, [lanes * 4])
    dst0 = plsc.load_gather(e_v, [lanes * 4 + 1])
    src1 = plsc.load_gather(e_v, [lanes * 4 + 2])
    dst1 = plsc.load_gather(e_v, [lanes * 4 + 3])

    idx_v[pl.ds(0, 16)] = dst0 + base
    idx_v[pl.ds(16, 16)] = dst1 + base
    cp_rows = pltpu.async_copy(emb_hbm.at[idx_v], rows_v, sem)
    cp_p.wait()
    cp_m.wait()

    swap = jnp.where(slot == 4, 1, 0) * jnp.ones((16,), jnp.int32)
    is_sign = jnp.where((slot == 0) | (slot == 4), 1.0, 0.0)

    def edge_weight(src, dst):
        pa = plsc.load_gather(pp_v, [src])
        pb = plsc.load_gather(pp_v, [dst + _N])
        r = jnp.where(swap == 1, dst, src)
        c = jnp.where(swap == 1, src, dst)
        w_gath = plsc.load_gather(mat_v, [r, c])
        w_e = 1.0 + is_sign * (w_gath - 1.0)
        logit = pa + w_e * pb
        elu = jnp.where(logit >= 0.0, logit, 0.1 * (jnp.exp(logit) - 1.0))
        return jnp.exp(elu)

    v0 = edge_weight(src0, dst0)
    v1 = edge_weight(src1, dst1)
    tot = v0 + v1
    w0 = v0 / tot
    w1 = v1 / tot

    cp_rows.wait()

    def combine(n, carry):
        sel = lanes == n
        b0 = jnp.sum(jnp.where(sel, w0, 0.0))
        b1 = jnp.sum(jnp.where(sel, w1, 0.0))
        for d in range(_D // 16):
            sl = pl.ds(d * 16, 16)
            outbuf_v[n, sl] = b0 * rows_v[n, sl] + b1 * rows_v[16 + n, sl]
        return carry

    lax.fori_loop(0, 16, combine, 0)

    oidx_v[...] = src0 + base
    pltpu.async_copy(outbuf_v, out_hbm.at[oidx_v], sem).wait()


def _phase_c(fa_ref, fb_ref, msg_ref, w1_ref, b1_ref, alpha_ref, w2_ref,
             b2_ref, oa_ref, ob_ref):
    alpha = alpha_ref[0, 0]

    def update(x):
        h = jnp.dot(x, w1_ref[...], preferred_element_type=jnp.float32)
        h = h + b1_ref[...][None, :]
        h = jnp.where(h >= 0, h, alpha * h)
        h = jnp.dot(h, w2_ref[...], preferred_element_type=jnp.float32)
        return h + b2_ref[...][None, :]

    def msgs(lo):
        return [msg_ref[pl.ds((lo + k) * _N, _N), :] for k in range(4)]

    oa_ref[...] = update(jnp.concatenate([fa_ref[...]] + msgs(0), axis=1))
    ob_ref[...] = update(jnp.concatenate([fb_ref[...]] + msgs(4), axis=1))


@jax.jit
def kernel(feature_a, feature_b, matrix, Wmlp, bmlp, att, W1, b1, alpha, W2,
           b2, edges):
    alpha2d = jnp.reshape(alpha.astype(jnp.float32), (1, 1))

    emb, pp = pl.pallas_call(
        _phase_a,
        out_shape=(
            jax.ShapeDtypeStruct((_S * _N, _D), jnp.float32),
            jax.ShapeDtypeStruct((_S, 2 * _N), jnp.float32),
        ),
    )(feature_a, feature_b, Wmlp, bmlp, att[:, :, 0])

    msg = _sc_messages(emb, pp, edges.astype(jnp.int32).reshape(_S, 256),
                       matrix)

    out_a, out_b = pl.pallas_call(
        _phase_c,
        out_shape=(
            jax.ShapeDtypeStruct((_N, _D), jnp.float32),
            jax.ShapeDtypeStruct((_N, _D), jnp.float32),
        ),
    )(feature_a, feature_b, msg, W1, b1, alpha2d, W2, b2)
    return (out_a, out_b)

# --- scband reference (transcript-rebuilt; emitter-appended) ---
"""Pipeline reference for scband-sbgnnlayer-61795989454873 (READ-ONLY COPY).

The authoritative reference and input builder live on the scoring server;
editing this copy changes nothing except your own understanding.
"""

import jax, jax.numpy as jnp
import numpy as np


def setup_inputs(seed: int = 0) -> dict:
    key = jax.random.key(seed)
    ks = jax.random.split(key, 8)
    N, D = 64, 128
    ar = jnp.arange(N)

    def ring(shift):
        src = jnp.repeat(ar, 2)
        dst = jnp.stack([ar, (ar + shift) % N], axis=1).reshape(-1)
        return jnp.stack([src, dst], axis=1)

    # slot order: a_from_b_pos, a_from_b_neg, a_from_a_pos, a_from_a_neg,
    #             b_from_a_pos, b_from_a_neg, b_from_b_pos, b_from_b_neg
    edges = jnp.stack([ring(1), ring(2), ring(1), ring(2), ring(1), ring(2), ring(1), ring(2)], axis=0).astype(jnp.int32)

    return {
        "feature_a": jax.random.normal(ks[0], (N, D), jnp.float32),
        "feature_b": jax.random.normal(ks[1], (N, D), jnp.float32),
        "matrix": jax.random.normal(ks[2], (N, N), jnp.float32),
        "Wmlp": jax.random.normal(ks[3], (8, D, D), jnp.float32) * (1.0 / np.sqrt(D)),
        "bmlp": jnp.zeros((8, D), jnp.float32),
        "att": jax.random.normal(ks[4], (8, 2 * D, 1), jnp.float32) * (1.0 / np.sqrt(2 * D)),
        "W1": jax.random.normal(ks[5], (5 * D, 2 * D), jnp.float32) * (1.0 / np.sqrt(5 * D)),
        "b1": jnp.zeros((2 * D,), jnp.float32),
        "alpha": jnp.asarray(0.25, jnp.float32),
        "W2": jax.random.normal(ks[6], (2 * D, D), jnp.float32) * (1.0 / np.sqrt(2 * D)),
        "b2": jnp.zeros((D,), jnp.float32),
        "edges": edges,
    }


def reference(feature_a, feature_b, matrix, Wmlp, bmlp, att, W1, b1, alpha, W2, b2, edges):
    N = feature_a.shape[0]

    def agg(i, e, fa, fb, mat, sign):
        # out_mlp_layer: Linear(b_dim, b_dim)
        new_emb = fb @ Wmlp[i] + bmlp[i]
        h_a = fa[e[:, 0]]
        h_b = new_emb[e[:, 1]]
        if sign:
            w_e = mat[e[:, 0], e[:, 1]][:, None]
            h_b_att = w_e * h_b
        else:
            h_b_att = h_b
        edge_h_2 = jnp.concatenate([h_a, h_b_att], axis=1)
        logits = edge_h_2 @ att[i]          # einsum('ij,jl->il')
        vals = jnp.exp(jax.nn.elu(logits, alpha=0.1))[:, 0]
        # sparse attention matrix row-sum + weighted aggregation (scatter-add)
        row_sum = jax.ops.segment_sum(vals, e[:, 0], num_segments=N)
        row_sum = jnp.where(row_sum == 0, jnp.ones_like(row_sum), row_sum)
        out = jax.ops.segment_sum(vals[:, None] * new_emb[e[:, 1]], e[:, 0], num_segments=N)
        return out / row_sum[:, None]

    def update(x):
        # Dropout is identity in eval mode
        h = x @ W1 + b1
        h = jnp.where(h >= 0, h, alpha * h)  # PReLU
        return h @ W2 + b2

    m_a_b_pos = agg(0, edges[0], feature_a, feature_b, matrix, True)
    m_a_b_neg = agg(1, edges[1], feature_a, feature_b, matrix, False)
    m_a_a_pos = agg(2, edges[2], feature_a, feature_a, matrix, False)
    m_a_a_neg = agg(3, edges[3], feature_a, feature_a, matrix, False)
    new_feature_a = update(jnp.concatenate([feature_a, m_a_b_pos, m_a_b_neg, m_a_a_pos, m_a_a_neg], axis=1))

    m_b_a_pos = agg(4, edges[4], feature_b, feature_a, matrix.T, True)
    m_b_a_neg = agg(5, edges[5], feature_b, feature_a, matrix, False)
    m_b_b_pos = agg(6, edges[6], feature_b, feature_b, matrix, False)
    m_b_b_neg = agg(7, edges[7], feature_b, feature_b, matrix, False)
    new_feature_b = update(jnp.concatenate([feature_b, m_b_a_pos, m_b_a_neg, m_b_b_pos, m_b_b_neg], axis=1))

    return (new_feature_a, new_feature_b)

if __name__ == "__main__":
    import jax
    _d = setup_inputs()
    print(jax.jit(kernel)(*tuple(_d.values())))

</pallas_src>

<mosaic_0001>
#map = affine_map<(d0, d1) -> (0, 0)>
module attributes {stable_mosaic.version = 14 : i64} {
  func.func @_sc_messages(%arg0: i32, %arg1: i32, %arg2: memref<512x128xf32, #tpu.memory_space<hbm>>, %arg3: memref<8x128xf32, #tpu.memory_space<hbm>>, %arg4: memref<8x256xi32, #tpu.memory_space<hbm>>, %arg5: memref<64x64xf32, #tpu.memory_space<hbm>>, %arg6: memref<512x128xf32, #tpu.memory_space<hbm>>, %arg7: memref<64xi32, #tpu.memory_space<vmem>>, %arg8: memref<128xf32, #tpu.memory_space<vmem>>, %arg9: memref<64x64xf32, #tpu.memory_space<vmem>>, %arg10: memref<32xi32, #tpu.memory_space<vmem>>, %arg11: memref<16xi32, #tpu.memory_space<vmem>>, %arg12: memref<32x128xf32, #tpu.memory_space<vmem>>, %arg13: memref<16x128xf32, #tpu.memory_space<vmem>>, %arg14: memref<!tpu.dma_semaphore, #tpu.memory_space<semaphore_mem>>, %arg15: memref<!tpu.dma_semaphore, #tpu.memory_space<semaphore_mem>>, %arg16: memref<!tpu.dma_semaphore, #tpu.memory_space<semaphore_mem>>, %arg17: memref<!tpu.dma_semaphore, #tpu.memory_space<semaphore_mem>>) attributes {dimension_semantics = [#tpu.dimension_semantics<core_parallel>, #tpu.dimension_semantics<subcore_parallel>], iteration_bounds = array<i64: 2, 16>, scalar_prefetch = 0 : i64, scratch_operands = 11 : i64, tpu.core_type = #tpu.core_type<sc_vector_subcore>, window_params = [{transform_indices = #map}, {transform_indices = #map}, {transform_indices = #map}, {transform_indices = #map}, {transform_indices = #map}]} {
    %mul3A = arith.constant 2 : i32
    %mul3A_0 = arith.muli %arg1, %mul3A : i32
    %add3A = arith.addi %mul3A_0, %arg0 : i32
    %jit3A = arith.constant 4 : i32
    %div3A = arith.divsi %add3A, %jit3A : i32
    %sign3A = arith.constant 0 : i32
    %sign3A_1 = arith.cmpi sgt, %add3A, %sign3A : i32
    %sign3A_2 = arith.extui %sign3A_1 : i1 to i32
    %sign3A_3 = arith.constant 0 : i32
    %sign3A_4 = arith.cmpi slt, %add3A, %sign3A_3 : i32
    %sign3A_5 = arith.extui %sign3A_4 : i1 to i32
    %sign3A_6 = arith.subi %sign3A_2, %sign3A_5 : i32
    %sign3A_7 = arith.constant 0 : i32
    %sign3A_8 = arith.cmpi sgt, %jit3A, %sign3A_7 : i32
    %sign3A_9 = arith.extui %sign3A_8 : i1 to i32
    %sign3A_10 = arith.constant 0 : i32
    %sign3A_11 = arith.cmpi slt, %jit3A, %sign3A_10 : i32
    %sign3A_12 = arith.extui %sign3A_11 : i1 to i32
    %sign3A_13 = arith.subi %sign3A_9, %sign3A_12 : i32
    %ne3A = arith.cmpi ne, %sign3A_6, %sign3A_13 : i32
    %rem3A = arith.remsi %add3A, %jit3A : i32
    %ne3A_14 = arith.constant 0 : i32
    %ne3A_15 = arith.cmpi ne, %rem3A, %ne3A_14 : i32
    %and3A = arith.andi %ne3A, %ne3A_15 : i1
    %sub3A = arith.constant 1 : i32
    %sub3A_16 = arith.subi %div3A, %sub3A : i32
    %select_n3A = arith.select %and3A, %sub3A_16, %div3A : i32
    %mul3A_17 = arith.constant 4 : i32
    %mul3A_18 = arith.muli %select_n3A, %mul3A_17 : i32
    %sub3A_19 = arith.subi %add3A, %mul3A_18 : i32
    %mul3A_20 = arith.constant 64 : i32
    %mul3A_21 = arith.muli %select_n3A, %mul3A_20 : i32
    %mul3A_22 = arith.constant 64 : i32
    %mul3A_23 = arith.muli %sub3A_19, %mul3A_22 : i32
    %dma_start3A = tpu.memref_slice %arg4[%select_n3A, %mul3A_23] : memref<8x256xi32, #tpu.memory_space<hbm>> -> memref<1x64xi32, #tpu.memory_space<hbm>>
    %dma_start3A_24 = tpu.memref_squeeze %dma_start3A : memref<1x64xi32, #tpu.memory_space<hbm>> -> memref<64xi32, #tpu.memory_space<hbm>>
    %dma_start3A_25 = tpu.memref_slice %arg4[%select_n3A, %mul3A_23] : memref<8x256xi32, #tpu.memory_space<hbm>> -> memref<1x64xi32, #tpu.memory_space<hbm>>
    %dma_start3A_26 = tpu.memref_squeeze %dma_start3A_25 : memref<1x64xi32, #tpu.memory_space<hbm>> -> memref<64xi32, #tpu.memory_space<hbm>>
    tpu.enqueue_dma source(%dma_start3A_26 : memref<64xi32, #tpu.memory_space<hbm>>) target(%arg7 : memref<64xi32, #tpu.memory_space<vmem>>) target_semaphore(%arg15 : memref<!tpu.dma_semaphore, #tpu.memory_space<semaphore_mem>>)
    %dma_start3A_27 = arith.constant 0 : i32
    %dma_start3A_28 = tpu.memref_slice %arg3[%select_n3A, %dma_start3A_27] : memref<8x128xf32, #tpu.memory_space<hbm>> -> memref<1x128xf32, #tpu.memory_space<hbm>>
    %dma_start3A_29 = tpu.memref_squeeze %dma_start3A_28 : memref<1x128xf32, #tpu.memory_space<hbm>> -> memref<128xf32, #tpu.memory_space<hbm>>
    %dma_start3A_30 = arith.constant 0 : i32
    %dma_start3A_31 = tpu.memref_slice %arg3[%select_n3A, %dma_start3A_30] : memref<8x128xf32, #tpu.memory_space<hbm>> -> memref<1x128xf32, #tpu.memory_space<hbm>>
    %dma_start3A_32 = tpu.memref_squeeze %dma_start3A_31 : memref<1x128xf32, #tpu.memory_space<hbm>> -> memref<128xf32, #tpu.memory_space<hbm>>
    tpu.enqueue_dma source(%dma_start3A_32 : memref<128xf32, #tpu.memory_space<hbm>>) target(%arg8 : memref<128xf32, #tpu.memory_space<vmem>>) target_semaphore(%arg16 : memref<!tpu.dma_semaphore, #tpu.memory_space<semaphore_mem>>)
    tpu.enqueue_dma source(%arg5 : memref<64x64xf32, #tpu.memory_space<hbm>>) target(%arg9 : memref<64x64xf32, #tpu.memory_space<vmem>>) target_semaphore(%arg17 : memref<!tpu.dma_semaphore, #tpu.memory_space<semaphore_mem>>)
    %dma_wait3A = tpu.memref_slice %arg4[%select_n3A, %mul3A_23] : memref<8x256xi32, #tpu.memory_space<hbm>> -> memref<1x64xi32, #tpu.memory_space<hbm>>
    %dma_wait3A_33 = tpu.memref_squeeze %dma_wait3A : memref<1x64xi32, #tpu.memory_space<hbm>> -> memref<64xi32, #tpu.memory_space<hbm>>
    %dma_wait3A_34 = tpu.memref_slice %arg4[%select_n3A, %mul3A_23] : memref<8x256xi32, #tpu.memory_space<hbm>> -> memref<1x64xi32, #tpu.memory_space<hbm>>
    %dma_wait3A_35 = tpu.memref_squeeze %dma_wait3A_34 : memref<1x64xi32, #tpu.memory_space<hbm>> -> memref<64xi32, #tpu.memory_space<hbm>>
    tpu.wait_dma2 semaphore(%arg15 : memref<!tpu.dma_semaphore, #tpu.memory_space<semaphore_mem>>) src(%dma_wait3A_35 : memref<64xi32, #tpu.memory_space<hbm>>) dst(%arg7 : memref<64xi32, #tpu.memory_space<vmem>>)
    %iota3A = tpu.iota {dimensions = array<i32: 0>} : vector<16xi32>
    %mul3A_36 = arith.constant 4 : i32
    %mul3A_37 = vector.broadcast %mul3A_36 : i32 to vector<16xi32>
    %mul3A_38 = arith.muli %iota3A, %mul3A_37 : vector<16xi32>
    %gather3A = tpu.vector_load_idx %arg7[%mul3A_38] : memref<64xi32, #tpu.memory_space<vmem>>[vector<16xi32>], vector<16xi32>,
    %mul3A_39 = arith.constant 4 : i32
    %mul3A_40 = vector.broadcast %mul3A_39 : i32 to vector<16xi32>
    %mul3A_41 = arith.muli %iota3A, %mul3A_40 : vector<16xi32>
    %add3A_42 = arith.constant 1 : i32
    %add3A_43 = vector.broadcast %add3A_42 : i32 to vector<16xi32>
    %add3A_44 = arith.addi %mul3A_41, %add3A_43 : vector<16xi32>
    %gather3A_45 = tpu.vector_load_idx %arg7[%add3A_44] : memref<64xi32, #tpu.memory_space<vmem>>[vector<16xi32>], vector<16xi32>,
    %mul3A_46 = arith.constant 4 : i32
    %mul3A_47 = vector.broadcast %mul3A_46 : i32 to vector<16xi32>
    %mul3A_48 = arith.muli %iota3A, %mul3A_47 : vector<16xi32>
    %add3A_49 = arith.constant 2 : i32
    %add3A_50 = vector.broadcast %add3A_49 : i32 to vector<16xi32>
    %add3A_51 = arith.addi %mul3A_48, %add3A_50 : vector<16xi32>
    %gather3A_52 = tpu.vector_load_idx %arg7[%add3A_51] : memref<64xi32, #tpu.memory_space<vmem>>[vector<16xi32>], vector<16xi32>,
    %mul3A_53 = arith.constant 4 : i32
    %mul3A_54 = vector.broadcast %mul3A_53 : i32 to vector<16xi32>
    %mul3A_55 = arith.muli %iota3A, %mul3A_54 : vector<16xi32>
    %add3A_56 = arith.constant 3 : i32
    %add3A_57 = vector.broadcast %add3A_56 : i32 to vector<16xi32>
    %add3A_58 = arith.addi %mul3A_55, %add3A_57 : vector<16xi32>
    %gather3A_59 = tpu.vector_load_idx %arg7[%add3A_58] : memref<64xi32, #tpu.memory_space<vmem>>[vector<16xi32>], vector<16xi32>,
    %add3A_60 = vector.broadcast %mul3A_21 : i32 to vector<16xi32>
    %add3A_61 = arith.addi %gather3A_45, %add3A_60 : vector<16xi32>
    %swap3A = arith.constant 0 : index
    %swap3A_62 = tpu.vector_load %arg10[%swap3A] {strides = array<i32>} : memref<32xi32, #tpu.memory_space<vmem>>, vector<16xi32>,
    tpu.vector_store %arg10[%swap3A], %add3A_61 {strides = array<i32>} : memref<32xi32, #tpu.memory_space<vmem>>, vector<16xi32>,
    %add3A_63 = vector.broadcast %mul3A_21 : i32 to vector<16xi32>
    %add3A_64 = arith.addi %gather3A_59, %add3A_63 : vector<16xi32>
    %swap3A_65 = arith.constant 16 : index
    %swap3A_66 = tpu.vector_load %arg10[%swap3A_65] {strides = array<i32>} : memref<32xi32, #tpu.memory_space<vmem>>, vector<16xi32>,
    tpu.vector_store %arg10[%swap3A_65], %add3A_64 {strides = array<i32>} : memref<32xi32, #tpu.memory_space<vmem>>, vector<16xi32>,
    %dma_start3A_67 = arith.constant 0 : i32
    %dma_start3A_68 = arith.constant 0 : i32
    %dma_start3A_69 = tpu.memref_slice %arg2[%dma_start3A_67, %dma_start3A_68] : memref<512x128xf32, #tpu.memory_space<hbm>> -> memref<512x128xf32, #tpu.memory_space<hbm>>
    tpu.enqueue_indirect_dma source(%dma_start3A_69 : memref<512x128xf32, #tpu.memory_space<hbm>>) target(%arg12 : memref<32x128xf32, #tpu.memory_space<vmem>>) offsets(%arg10 : memref<32xi32, #tpu.memory_space<vmem>>) semaphore(%arg14 : memref<!tpu.dma_semaphore, #tpu.memory_space<semaphore_mem>>)
    %dma_wait3A_70 = arith.constant 0 : i32
    %dma_wait3A_71 = tpu.memref_slice %arg3[%select_n3A, %dma_wait3A_70] : memref<8x128xf32, #tpu.memory_space<hbm>> -> memref<1x128xf32, #tpu.memory_space<hbm>>
    %dma_wait3A_72 = tpu.memref_squeeze %dma_wait3A_71 : memref<1x128xf32, #tpu.memory_space<hbm>> -> memref<128xf32, #tpu.memory_space<hbm>>
    %dma_wait3A_73 = arith.constant 0 : i32
    %dma_wait3A_74 = tpu.memref_slice %arg3[%select_n3A, %dma_wait3A_73] : memref<8x128xf32, #tpu.memory_space<hbm>> -> memref<1x128xf32, #tpu.memory_space<hbm>>
    %dma_wait3A_75 = tpu.memref_squeeze %dma_wait3A_74 : memref<1x128xf32, #tpu.memory_space<hbm>> -> memref<128xf32, #tpu.memory_space<hbm>>
    tpu.wait_dma2 semaphore(%arg16 : memref<!tpu.dma_semaphore, #tpu.memory_space<semaphore_mem>>) src(%dma_wait3A_75 : memref<128xf32, #tpu.memory_space<hbm>>) dst(%arg8 : memref<128xf32, #tpu.memory_space<vmem>>)
    tpu.wait_dma2 semaphore(%arg17 : memref<!tpu.dma_semaphore, #tpu.memory_space<semaphore_mem>>) src(%arg5 : memref<64x64xf32, #tpu.memory_space<hbm>>) dst(%arg9 : memref<64x64xf32, #tpu.memory_space<vmem>>)
    %eq3A = arith.constant 4 : i32
    %eq3A_76 = arith.cmpi eq, %select_n3A, %eq3A : i32
    %jit3A_77 = arith.constant 1 : i32
    %jit3A_78 = arith.constant 0 : i32
    %select_n3A_79 = arith.select %eq3A_76, %jit3A_77, %jit3A_78 : i32
    %broadcast_in_dim3A = arith.constant 1 : i32
    %broadcast_in_dim3A_80 = vector.broadcast %broadcast_in_dim3A : i32 to vector<16xi32>
    %mul3A_81 = vector.broadcast %select_n3A_79 : i32 to vector<16xi32>
    %mul3A_82 = arith.muli %mul3A_81, %broadcast_in_dim3A_80 : vector<16xi32>
    %eq3A_83 = arith.constant 0 : i32
    %eq3A_84 = arith.cmpi eq, %select_n3A, %eq3A_83 : i32
    %eq3A_85 = arith.constant 4 : i32
    %eq3A_86 = arith.cmpi eq, %select_n3A, %eq3A_85 : i32
    %or3A = arith.ori %eq3A_84, %eq3A_86 : i1
    %jit3A_87 = arith.constant 1.000000e+00 : f32
    %jit3A_88 = arith.constant 0.000000e+00 : f32
    %select_n3A_89 = arith.select %or3A, %jit3A_87, %jit3A_88 : f32
    %gather3A_90 = tpu.vector_load_idx %arg8[%gather3A] : memref<128xf32, #tpu.memory_space<vmem>>[vector<16xi32>], vector<16xf32>,
    %add3A_91 = arith.constant 64 : i32
    %add3A_92 = vector.broadcast %add3A_91 : i32 to vector<16xi32>
    %add3A_93 = arith.addi %gather3A_45, %add3A_92 : vector<16xi32>
    %gather3A_94 = tpu.vector_load_idx %arg8[%add3A_93] : memref<128xf32, #tpu.memory_space<vmem>>[vector<16xi32>], vector<16xf32>,
    %eq3A_95 = arith.constant 1 : i32
    %eq3A_96 = vector.broadcast %eq3A_95 : i32 to vector<16xi32>
    %eq3A_97 = arith.cmpi eq, %mul3A_82, %eq3A_96 : vector<16xi32>
    %select_n3A_98 = arith.select %eq3A_97, %gather3A_45, %gather3A : vector<16xi1>, vector<16xi32>
    %eq3A_99 = arith.constant 1 : i32
    %eq3A_100 = vector.broadcast %eq3A_99 : i32 to vector<16xi32>
    %eq3A_101 = arith.cmpi eq, %mul3A_82, %eq3A_100 : vector<16xi32>
    %select_n3A_102 = arith.select %eq3A_101, %gather3A, %gather3A_45 : vector<16xi1>, vector<16xi32>
    %gather3A_103 = tpu.vector_load_idx %arg9[%select_n3A_98, %select_n3A_102] : memref<64x64xf32, #tpu.memory_space<vmem>>[vector<16xi32>, vector<16xi32>], vector<16xf32>,
    %sub3A_104 = arith.constant 1.000000e+00 : f32
    %sub3A_105 = vector.broadcast %sub3A_104 : f32 to vector<16xf32>
    %sub3A_106 = arith.subf %gather3A_103, %sub3A_105 : vector<16xf32>
    %mul3A_107 = vector.broadcast %select_n3A_89 : f32 to vector<16xf32>
    %mul3A_108 = arith.mulf %mul3A_107, %sub3A_106 : vector<16xf32>
    %add3A_109 = arith.constant 1.000000e+00 : f32
    %add3A_110 = vector.broadcast %add3A_109 : f32 to vector<16xf32>
    %add3A_111 = arith.addf %add3A_110, %mul3A_108 : vector<16xf32>
    %mul3A_112 = arith.mulf %add3A_111, %gather3A_94 : vector<16xf32>
    %add3A_113 = arith.addf %gather3A_90, %mul3A_112 : vector<16xf32>
    %ge3A = arith.constant 0.000000e+00 : f32
    %ge3A_114 = vector.broadcast %ge3A : f32 to vector<16xf32>
    %ge3A_115 = arith.cmpf oge, %add3A_113, %ge3A_114 : vector<16xf32>
    %exp3A = math.exp %add3A_113 : vector<16xf32>
    %sub3A_116 = arith.constant 1.000000e+00 : f32
    %sub3A_117 = vector.broadcast %sub3A_116 : f32 to vector<16xf32>
    %sub3A_118 = arith.subf %exp3A, %sub3A_117 : vector<16xf32>
    %mul3A_119 = arith.constant 1.000000e-01 : f32
    %mul3A_120 = vector.broadcast %mul3A_119 : f32 to vector<16xf32>
    %mul3A_121 = arith.mulf %mul3A_120, %sub3A_118 : vector<16xf32>
    %select_n3A_122 = arith.select %ge3A_115, %add3A_113, %mul3A_121 : vector<16xi1>, vector<16xf32>
    %exp3A_123 = math.exp %select_n3A_122 : vector<16xf32>
    %gather3A_124 = tpu.vector_load_idx %arg8[%gather3A_52] : memref<128xf32, #tpu.memory_space<vmem>>[vector<16xi32>], vector<16xf32>,
    %add3A_125 = arith.constant 64 : i32
    %add3A_126 = vector.broadcast %add3A_125 : i32 to vector<16xi32>
    %add3A_127 = arith.addi %gather3A_59, %add3A_126 : vector<16xi32>
    %gather3A_128 = tpu.vector_load_idx %arg8[%add3A_127] : memref<128xf32, #tpu.memory_space<vmem>>[vector<16xi32>], vector<16xf32>,
    %eq3A_129 = arith.constant 1 : i32
    %eq3A_130 = vector.broadcast %eq3A_129 : i32 to vector<16xi32>
    %eq3A_131 = arith.cmpi eq, %mul3A_82, %eq3A_130 : vector<16xi32>
    %select_n3A_132 = arith.select %eq3A_131, %gather3A_59, %gather3A_52 : vector<16xi1>, vector<16xi32>
    %eq3A_133 = arith.constant 1 : i32
    %eq3A_134 = vector.broadcast %eq3A_133 : i32 to vector<16xi32>
    %eq3A_135 = arith.cmpi eq, %mul3A_82, %eq3A_134 : vector<16xi32>
    %select_n3A_136 = arith.select %eq3A_135, %gather3A_52, %gather3A_59 : vector<16xi1>, vector<16xi32>
    %gather3A_137 = tpu.vector_load_idx %arg9[%select_n3A_132, %select_n3A_136] : memref<64x64xf32, #tpu.memory_space<vmem>>[vector<16xi32>, vector<16xi32>], vector<16xf32>,
    %sub3A_138 = arith.constant 1.000000e+00 : f32
    %sub3A_139 = vector.broadcast %sub3A_138 : f32 to vector<16xf32>
    %sub3A_140 = arith.subf %gather3A_137, %sub3A_139 : vector<16xf32>
    %mul3A_141 = vector.broadcast %select_n3A_89 : f32 to vector<16xf32>
    %mul3A_142 = arith.mulf %mul3A_141, %sub3A_140 : vector<16xf32>
    %add3A_143 = arith.constant 1.000000e+00 : f32
    %add3A_144 = vector.broadcast %add3A_143 : f32 to vector<16xf32>
    %add3A_145 = arith.addf %add3A_144, %mul3A_142 : vector<16xf32>
    %mul3A_146 = arith.mulf %add3A_145, %gather3A_128 : vector<16xf32>
    %add3A_147 = arith.addf %gather3A_124, %mul3A_146 : vector<16xf32>
    %ge3A_148 = arith.constant 0.000000e+00 : f32
    %ge3A_149 = vector.broadcast %ge3A_148 : f32 to vector<16xf32>
    %ge3A_150 = arith.cmpf oge, %add3A_147, %ge3A_149 : vector<16xf32>
    %exp3A_151 = math.exp %add3A_147 : vector<16xf32>
    %sub3A_152 = arith.constant 1.000000e+00 : f32
    %sub3A_153 = vector.broadcast %sub3A_152 : f32 to vector<16xf32>
    %sub3A_154 = arith.subf %exp3A_151, %sub3A_153 : vector<16xf32>
    %mul3A_155 = arith.constant 1.000000e-01 : f32
    %mul3A_156 = vector.broadcast %mul3A_155 : f32 to vector<16xf32>
    %mul3A_157 = arith.mulf %mul3A_156, %sub3A_154 : vector<16xf32>
    %select_n3A_158 = arith.select %ge3A_150, %add3A_147, %mul3A_157 : vector<16xi1>, vector<16xf32>
    %exp3A_159 = math.exp %select_n3A_158 : vector<16xf32>
    %add3A_160 = arith.addf %exp3A_123, %exp3A_159 : vector<16xf32>
    %div3A_161 = arith.divf %exp3A_123, %add3A_160 : vector<16xf32>
    %div3A_162 = arith.divf %exp3A_159, %add3A_160 : vector<16xf32>
    %dma_wait3A_163 = arith.constant 0 : i32
    %dma_wait3A_164 = arith.constant 0 : i32
    %dma_wait3A_165 = tpu.memref_slice %arg2[%dma_wait3A_163, %dma_wait3A_164] : memref<512x128xf32, #tpu.memory_space<hbm>> -> memref<512x128xf32, #tpu.memory_space<hbm>>
    tpu.wait_indirect_dma semaphore(%arg14 : memref<!tpu.dma_semaphore, #tpu.memory_space<semaphore_mem>>) src(%dma_wait3A_165 : memref<512x128xf32, #tpu.memory_space<hbm>>) dst(%arg12 : memref<32x128xf32, #tpu.memory_space<vmem>>)
    %scan3A = arith.constant 0 : i32
    %scan3A_166 = arith.constant 0 : i32
    %scan3A_167 = arith.constant 16 : i32
    %scan3A_168 = arith.addi %scan3A_166, %scan3A_167 : i32
    %scan3A_169 = arith.constant 1 : i32
    scf.for %scan3A_181 = %scan3A_166 to %scan3A_168 step %scan3A_169  : i32 {
      %eq3A_182 = vector.broadcast %scan3A_181 : i32 to vector<16xi32>
      %eq3A_183 = arith.cmpi eq, %iota3A, %eq3A_182 : vector<16xi32>
      %jit3A_184 = arith.constant 0.000000e+00 : f32
      %broadcast_in_dim3A_185 = vector.broadcast %jit3A_184 : f32 to vector<16xf32>
      %select_n3A_186 = arith.select %eq3A_183, %div3A_161, %broadcast_in_dim3A_185 : vector<16xi1>, vector<16xf32>
      %reduce_sum3A = arith.constant true
      %reduce_sum3A_187 = vector.broadcast %reduce_sum3A : i1 to vector<16xi1>
      %reduce_sum3A_188 = tpu.scan <sum>, %select_n3A_186 masked %reduce_sum3A_187 : vector<16xf32>, vector<16xi1> -> vector<16xf32>
      %reduce_sum3A_189 = vector.extract %reduce_sum3A_188[15] : f32 from vector<16xf32>
      %jit3A_190 = arith.constant 0.000000e+00 : f32
      %broadcast_in_dim3A_191 = vector.broadcast %jit3A_190 : f32 to vector<16xf32>
      %select_n3A_192 = arith.select %eq3A_183, %div3A_162, %broadcast_in_dim3A_191 : vector<16xi1>, vector<16xf32>
      %reduce_sum3A_193 = arith.constant true
      %reduce_sum3A_194 = vector.broadcast %reduce_sum3A_193 : i1 to vector<16xi1>
      %reduce_sum3A_195 = tpu.scan <sum>, %select_n3A_192 masked %reduce_sum3A_194 : vector<16xf32>, vector<16xi1> -> vector<16xf32>
      %reduce_sum3A_196 = vector.extract %reduce_sum3A_195[15] : f32 from vector<16xf32>
      %get3A = arith.index_cast %scan3A_181 : i32 to index
      %get3A_197 = arith.constant 0 : index
      %get3A_198 = tpu.vector_load %arg12[%get3A, %get3A_197] {strides = array<i32>} : memref<32x128xf32, #tpu.memory_space<vmem>>, vector<16xf32>,
      %mul3A_199 = vector.broadcast %reduce_sum3A_189 : f32 to vector<16xf32>
      %mul3A_200 = arith.mulf %mul3A_199, %get3A_198 : vector<16xf32>
      %add3A_201 = arith.constant 16 : i32
      %add3A_202 = arith.addi %add3A_201, %scan3A_181 : i32
      %get3A_203 = arith.index_cast %add3A_202 : i32 to index
      %get3A_204 = arith.constant 0 : index
      %get3A_205 = tpu.vector_load %arg12[%get3A_203, %get3A_204] {strides = array<i32>} : memref<32x128xf32, #tpu.memory_space<vmem>>, vector<16xf32>,
      %mul3A_206 = vector.broadcast %reduce_sum3A_196 : f32 to vector<16xf32>
      %mul3A_207 = arith.mulf %mul3A_206, %get3A_205 : vector<16xf32>
      %add3A_208 = arith.addf %mul3A_200, %mul3A_207 : vector<16xf32>
      %swap3A_209 = arith.index_cast %scan3A_181 : i32 to index
      %swap3A_210 = arith.constant 0 : index
      %swap3A_211 = tpu.vector_load %arg13[%swap3A_209, %swap3A_210] {strides = array<i32>} : memref<16x128xf32, #tpu.memory_space<vmem>>, vector<16xf32>,
      tpu.vector_store %arg13[%swap3A_209, %swap3A_210], %add3A_208 {strides = array<i32>} : memref<16x128xf32, #tpu.memory_space<vmem>>, vector<16xf32>,
      %get3A_212 = arith.index_cast %scan3A_181 : i32 to index
      %get3A_213 = arith.constant 16 : index
      %get3A_214 = tpu.vector_load %arg12[%get3A_212, %get3A_213] {strides = array<i32>} : memref<32x128xf32, #tpu.memory_space<vmem>>, vector<16xf32>,
      %mul3A_215 = vector.broadcast %reduce_sum3A_189 : f32 to vector<16xf32>
      %mul3A_216 = arith.mulf %mul3A_215, %get3A_214 : vector<16xf32>
      %add3A_217 = arith.constant 16 : i32
      %add3A_218 = arith.addi %add3A_217, %scan3A_181 : i32
      %get3A_219 = arith.index_cast %add3A_218 : i32 to index
      %get3A_220 = arith.constant 16 : index
      %get3A_221 = tpu.vector_load %arg12[%get3A_219, %get3A_220] {strides = array<i32>} : memref<32x128xf32, #tpu.memory_space<vmem>>, vector<16xf32>,
      %mul3A_222 = vector.broadcast %reduce_sum3A_196 : f32 to vector<16xf32>
      %mul3A_223 = arith.mulf %mul3A_222, %get3A_221 : vector<16xf32>
      %add3A_224 = arith.addf %mul3A_216, %mul3A_223 : vector<16xf32>
      %swap3A_225 = arith.index_cast %scan3A_181 : i32 to index
      %swap3A_226 = arith.constant 16 : index
      %swap3A_227 = tpu.vector_load %arg13[%swap3A_225, %swap3A_226] {strides = array<i32>} : memref<16x128xf32, #tpu.memory_space<vmem>>, vector<16xf32>,
      tpu.vector_store %arg13[%swap3A_225, %swap3A_226], %add3A_224 {strides = array<i32>} : memref<16x128xf32, #tpu.memory_space<vmem>>, vector<16xf32>,
      %get3A_228 = arith.index_cast %scan3A_181 : i32 to index
      %get3A_229 = arith.constant 32 : index
      %get3A_230 = tpu.vector_load %arg12[%get3A_228, %get3A_229] {strides = array<i32>} : memref<32x128xf32, #tpu.memory_space<vmem>>, vector<16xf32>,
      %mul3A_231 = vector.broadcast %reduce_sum3A_189 : f32 to vector<16xf32>
      %mul3A_232 = arith.mulf %mul3A_231, %get3A_230 : vector<16xf32>
      %add3A_233 = arith.constant 16 : i32
      %add3A_234 = arith.addi %add3A_233, %scan3A_181 : i32
      %get3A_235 = arith.index_cast %add3A_234 : i32 to index
      %get3A_236 = arith.constant 32 : index
      %get3A_237 = tpu.vector_load %arg12[%get3A_235, %get3A_236] {strides = array<i32>} : memref<32x128xf32, #tpu.memory_space<vmem>>, vector<16xf32>,
      %mul3A_238 = vector.broadcast %reduce_sum3A_196 : f32 to vector<16xf32>
      %mul3A_239 = arith.mulf %mul3A_238, %get3A_237 : vector<16xf32>
      %add3A_240 = arith.addf %mul3A_232, %mul3A_239 : vector<16xf32>
      %swap3A_241 = arith.index_cast %scan3A_181 : i32 to index
      %swap3A_242 = arith.constant 32 : index
      %swap3A_243 = tpu.vector_load %arg13[%swap3A_241, %swap3A_242] {strides = array<i32>} : memref<16x128xf32, #tpu.memory_space<vmem>>, vector<16xf32>,
      tpu.vector_store %arg13[%swap3A_241, %swap3A_242], %add3A_240 {strides = array<i32>} : memref<16x128xf32, #tpu.memory_space<vmem>>, vector<16xf32>,
      %get3A_244 = arith.index_cast %scan3A_181 : i32 to index
      %get3A_245 = arith.constant 48 : index
      %get3A_246 = tpu.vector_load %arg12[%get3A_244, %get3A_245] {strides = array<i32>} : memref<32x128xf32, #tpu.memory_space<vmem>>, vector<16xf32>,
      %mul3A_247 = vector.broadcast %reduce_sum3A_189 : f32 to vector<16xf32>
      %mul3A_248 = arith.mulf %mul3A_247, %get3A_246 : vector<16xf32>
      %add3A_249 = arith.constant 16 : i32
      %add3A_250 = arith.addi %add3A_249, %scan3A_181 : i32
      %get3A_251 = arith.index_cast %add3A_250 : i32 to index
      %get3A_252 = arith.constant 48 : index
      %get3A_253 = tpu.vector_load %arg12[%get3A_251, %get3A_252] {strides = array<i32>} : memref<32x128xf32, #tpu.memory_space<vmem>>, vector<16xf32>,
      %mul3A_254 = vector.broadcast %reduce_sum3A_196 : f32 to vector<16xf32>
      %mul3A_255 = arith.mulf %mul3A_254, %get3A_253 : vector<16xf32>
      %add3A_256 = arith.addf %mul3A_248, %mul3A_255 : vector<16xf32>
      %swap3A_257 = arith.index_cast %scan3A_181 : i32 to index
      %swap3A_258 = arith.constant 48 : index
      %swap3A_259 = tpu.vector_load %arg13[%swap3A_257, %swap3A_258] {strides = array<i32>} : memref<16x128xf32, #tpu.memory_space<vmem>>, vector<16xf32>,
      tpu.vector_store %arg13[%swap3A_257, %swap3A_258], %add3A_256 {strides = array<i32>} : memref<16x128xf32, #tpu.memory_space<vmem>>, vector<16xf32>,
      %get3A_260 = arith.index_cast %scan3A_181 : i32 to index
      %get3A_261 = arith.constant 64 : index
      %get3A_262 = tpu.vector_load %arg12[%get3A_260, %get3A_261] {strides = array<i32>} : memref<32x128xf32, #tpu.memory_space<vmem>>, vector<16xf32>,
      %mul3A_263 = vector.broadcast %reduce_sum3A_189 : f32 to vector<16xf32>
      %mul3A_264 = arith.mulf %mul3A_263, %get3A_262 : vector<16xf32>
      %add3A_265 = arith.constant 16 : i32
      %add3A_266 = arith.addi %add3A_265, %scan3A_181 : i32
      %get3A_267 = arith.index_cast %add3A_266 : i32 to index
      %get3A_268 = arith.constant 64 : index
      %get3A_269 = tpu.vector_load %arg12[%get3A_267, %get3A_268] {strides = array<i32>} : memref<32x128xf32, #tpu.memory_space<vmem>>, vector<16xf32>,
      %mul3A_270 = vector.broadcast %reduce_sum3A_196 : f32 to vector<16xf32>
      %mul3A_271 = arith.mulf %mul3A_270, %get3A_269 : vector<16xf32>
      %add3A_272 = arith.addf %mul3A_264, %mul3A_271 : vector<16xf32>
      %swap3A_273 = arith.index_cast %scan3A_181 : i32 to index
      %swap3A_274 = arith.constant 64 : index
      %swap3A_275 = tpu.vector_load %arg13[%swap3A_273, %swap3A_274] {strides = array<i32>} : memref<16x128xf32, #tpu.memory_space<vmem>>, vector<16xf32>,
      tpu.vector_store %arg13[%swap3A_273, %swap3A_274], %add3A_272 {strides = array<i32>} : memref<16x128xf32, #tpu.memory_space<vmem>>, vector<16xf32>,
      %get3A_276 = arith.index_cast %scan3A_181 : i32 to index
      %get3A_277 = arith.constant 80 : index
      %get3A_278 = tpu.vector_load %arg12[%get3A_276, %get3A_277] {strides = array<i32>} : memref<32x128xf32, #tpu.memory_space<vmem>>, vector<16xf32>,
      %mul3A_279 = vector.broadcast %reduce_sum3A_189 : f32 to vector<16xf32>
      %mul3A_280 = arith.mulf %mul3A_279, %get3A_278 : vector<16xf32>
      %add3A_281 = arith.constant 16 : i32
      %add3A_282 = arith.addi %add3A_281, %scan3A_181 : i32
      %get3A_283 = arith.index_cast %add3A_282 : i32 to index
      %get3A_284 = arith.constant 80 : index
      %get3A_285 = tpu.vector_load %arg12[%get3A_283, %get3A_284] {strides = array<i32>} : memref<32x128xf32, #tpu.memory_space<vmem>>, vector<16xf32>,
      %mul3A_286 = vector.broadcast %reduce_sum3A_196 : f32 to vector<16xf32>
      %mul3A_287 = arith.mulf %mul3A_286, %get3A_285 : vector<16xf32>
      %add3A_288 = arith.addf %mul3A_280, %mul3A_287 : vector<16xf32>
      %swap3A_289 = arith.index_cast %scan3A_181 : i32 to index
      %swap3A_290 = arith.constant 80 : index
      %swap3A_291 = tpu.vector_load %arg13[%swap3A_289, %swap3A_290] {strides = array<i32>} : memref<16x128xf32, #tpu.memory_space<vmem>>, vector<16xf32>,
      tpu.vector_store %arg13[%swap3A_289, %swap3A_290], %add3A_288 {strides = array<i32>} : memref<16x128xf32, #tpu.memory_space<vmem>>, vector<16xf32>,
      %get3A_292 = arith.index_cast %scan3A_181 : i32 to index
      %get3A_293 = arith.constant 96 : index
      %get3A_294 = tpu.vector_load %arg12[%get3A_292, %get3A_293] {strides = array<i32>} : memref<32x128xf32, #tpu.memory_space<vmem>>, vector<16xf32>,
      %mul3A_295 = vector.broadcast %reduce_sum3A_189 : f32 to vector<16xf32>
      %mul3A_296 = arith.mulf %mul3A_295, %get3A_294 : vector<16xf32>
      %add3A_297 = arith.constant 16 : i32
      %add3A_298 = arith.addi %add3A_297, %scan3A_181 : i32
      %get3A_299 = arith.index_cast %add3A_298 : i32 to index
      %get3A_300 = arith.constant 96 : index
      %get3A_301 = tpu.vector_load %arg12[%get3A_299, %get3A_300] {strides = array<i32>} : memref<32x128xf32, #tpu.memory_space<vmem>>, vector<16xf32>,
      %mul3A_302 = vector.broadcast %reduce_sum3A_196 : f32 to vector<16xf32>
      %mul3A_303 = arith.mulf %mul3A_302, %get3A_301 : vector<16xf32>
      %add3A_304 = arith.addf %mul3A_296, %mul3A_303 : vector<16xf32>
      %swap3A_305 = arith.index_cast %scan3A_181 : i32 to index
      %swap3A_306 = arith.constant 96 : index
      %swap3A_307 = tpu.vector_load %arg13[%swap3A_305, %swap3A_306] {strides = array<i32>} : memref<16x128xf32, #tpu.memory_space<vmem>>, vector<16xf32>,
      tpu.vector_store %arg13[%swap3A_305, %swap3A_306], %add3A_304 {strides = array<i32>} : memref<16x128xf32, #tpu.memory_space<vmem>>, vector<16xf32>,
      %get3A_308 = arith.index_cast %scan3A_181 : i32 to index
      %get3A_309 = arith.constant 112 : index
      %get3A_310 = tpu.vector_load %arg12[%get3A_308, %get3A_309] {strides = array<i32>} : memref<32x128xf32, #tpu.memory_space<vmem>>, vector<16xf32>,
      %mul3A_311 = vector.broadcast %reduce_sum3A_189 : f32 to vector<16xf32>
      %mul3A_312 = arith.mulf %mul3A_311, %get3A_310 : vector<16xf32>
      %add3A_313 = arith.constant 16 : i32
      %add3A_314 = arith.addi %add3A_313, %scan3A_181 : i32
      %get3A_315 = arith.index_cast %add3A_314 : i32 to index
      %get3A_316 = arith.constant 112 : index
      %get3A_317 = tpu.vector_load %arg12[%get3A_315, %get3A_316] {strides = array<i32>} : memref<32x128xf32, #tpu.memory_space<vmem>>, vector<16xf32>,
      %mul3A_318 = vector.broadcast %reduce_sum3A_196 : f32 to vector<16xf32>
      %mul3A_319 = arith.mulf %mul3A_318, %get3A_317 : vector<16xf32>
      %add3A_320 = arith.addf %mul3A_312, %mul3A_319 : vector<16xf32>
      %swap3A_321 = arith.index_cast %scan3A_181 : i32 to index
      %swap3A_322 = arith.constant 112 : index
      %swap3A_323 = tpu.vector_load %arg13[%swap3A_321, %swap3A_322] {strides = array<i32>} : memref<16x128xf32, #tpu.memory_space<vmem>>, vector<16xf32>,
      tpu.vector_store %arg13[%swap3A_321, %swap3A_322], %add3A_320 {strides = array<i32>} : memref<16x128xf32, #tpu.memory_space<vmem>>, vector<16xf32>,
    }
    %scan3A_170 = arith.constant 16 : i32
    %add3A_171 = vector.broadcast %mul3A_21 : i32 to vector<16xi32>
    %add3A_172 = arith.addi %gather3A, %add3A_171 : vector<16xi32>
    %swap3A_173 = arith.constant 0 : index
    %swap3A_174 = tpu.vector_load %arg11[%swap3A_173] {strides = array<i32>} : memref<16xi32, #tpu.memory_space<vmem>>, vector<16xi32>,
    tpu.vector_store %arg11[%swap3A_173], %add3A_172 {strides = array<i32>} : memref<16xi32, #tpu.memory_space<vmem>>, vector<16xi32>,
    %dma_start3A_175 = arith.constant 0 : i32
    %dma_start3A_176 = arith.constant 0 : i32
    %dma_start3A_177 = tpu.memref_slice %arg6[%dma_start3A_175, %dma_start3A_176] : memref<512x128xf32, #tpu.memory_space<hbm>> -> memref<512x128xf32, #tpu.memory_space<hbm>>
    tpu.enqueue_indirect_dma source(%arg13 : memref<16x128xf32, #tpu.memory_space<vmem>>) target(%dma_start3A_177 : memref<512x128xf32, #tpu.memory_space<hbm>>) offsets(%arg11 : memref<16xi32, #tpu.memory_space<vmem>>) semaphore(%arg14 : memref<!tpu.dma_semaphore, #tpu.memory_space<semaphore_mem>>)
    %dma_wait3A_178 = arith.constant 0 : i32
    %dma_wait3A_179 = arith.constant 0 : i32
    %dma_wait3A_180 = tpu.memref_slice %arg6[%dma_wait3A_178, %dma_wait3A_179] : memref<512x128xf32, #tpu.memory_space<hbm>> -> memref<512x128xf32, #tpu.memory_space<hbm>>
    tpu.wait_indirect_dma semaphore(%arg14 : memref<!tpu.dma_semaphore, #tpu.memory_space<semaphore_mem>>) src(%arg13 : memref<16x128xf32, #tpu.memory_space<vmem>>) dst(%dma_wait3A_180 : memref<512x128xf32, #tpu.memory_space<hbm>>)
    return
  }
}

module attributes {stable_mosaic.version = 14 : i64} {
  func.func @_phase_a(%arg0: memref<64x128xf32, #tpu.memory_space<vmem>>, %arg1: memref<64x128xf32, #tpu.memory_space<vmem>>, %arg2: memref<8x128x128xf32, #tpu.memory_space<vmem>>, %arg3: memref<8x128xf32, #tpu.memory_space<vmem>>, %arg4: memref<8x256xf32, #tpu.memory_space<vmem>>, %arg5: memref<512x128xf32, #tpu.memory_space<vmem>>, %arg6: memref<8x128xf32, #tpu.memory_space<vmem>>) attributes {dimension_semantics = [], scalar_prefetch = 0 : i64, scratch_operands = 0 : i64, tpu.core_type = #tpu.core_type<tc>} {
    %get3A = arith.constant 0 : index
    %get3A_0 = arith.constant 0 : index
    %get3A_1 = vector.load %arg0[%get3A, %get3A_0] : memref<64x128xf32, #tpu.memory_space<vmem>>, vector<64x128xf32>
    %get3A_2 = arith.constant 0 : index
    %get3A_3 = arith.constant 0 : index
    %get3A_4 = vector.load %arg1[%get3A_2, %get3A_3] : memref<64x128xf32, #tpu.memory_space<vmem>>, vector<64x128xf32>
    %get3A_5 = arith.constant 0 : index
    %get3A_6 = arith.constant 0 : index
    %get3A_7 = arith.constant 0 : index
    %get3A_8 = vector.load %arg2[%get3A_5, %get3A_6, %get3A_7] : memref<8x128x128xf32, #tpu.memory_space<vmem>>, vector<1x128x128xf32>
    %get3A_9 = vector.shape_cast %get3A_8 : vector<1x128x128xf32> to vector<128x128xf32>
    %dot_general3A = arith.constant dense<0.000000e+00> : vector<64x128xf32>
    %dot_general3A_10 = tpu.matmul %get3A_4, %get3A_9, %dot_general3A {dimension_numbers = #tpu.dot_dimension_numbers<[1], [0], [0], [1], [0, 0, 1, 1], [], []>, transpose_lhs_hint = false} : vector<64x128xf32>, vector<128x128xf32>, vector<64x128xf32> -> vector<64x128xf32>
    %get3A_11 = arith.constant 0 : index
    %get3A_12 = arith.constant 0 : index
    %get3A_13 = vector.load %arg3[%get3A_11, %get3A_12] : memref<8x128xf32, #tpu.memory_space<vmem>>, vector<1x128xf32>
    %get3A_14 = vector.shape_cast %get3A_13 : vector<1x128xf32> to vector<128xf32>
    %broadcast_in_dim3A = vector.shape_cast %get3A_14 : vector<128xf32> to vector<1x128xf32>
    %add3A = vector.broadcast %broadcast_in_dim3A : vector<1x128xf32> to vector<64x128xf32>
    %add3A_15 = arith.addf %dot_general3A_10, %add3A : vector<64x128xf32>
    %swap3A = arith.constant 0 : index
    %swap3A_16 = arith.constant 0 : index
    %swap3A_17 = vector.load %arg5[%swap3A, %swap3A_16] : memref<512x128xf32, #tpu.memory_space<vmem>>, vector<64x128xf32>
    tpu.vector_store %arg5[%swap3A, %swap3A_16], %add3A_15 {strides = array<i32>} : memref<512x128xf32, #tpu.memory_space<vmem>>, vector<64x128xf32>,
    %get3A_18 = arith.constant 0 : index
    %get3A_19 = arith.constant 0 : index
    %get3A_20 = vector.load %arg4[%get3A_18, %get3A_19] : memref<8x256xf32, #tpu.memory_space<vmem>>, vector<1x256xf32>
    %get3A_21 = vector.shape_cast %get3A_20 : vector<1x256xf32> to vector<256xf32>
    %slice3A = vector.extract_strided_slice %get3A_21 {offsets = [0], sizes = [128], strides = [1]} : vector<256xf32> to vector<128xf32>
    %broadcast_in_dim3A_22 = vector.shape_cast %slice3A : vector<128xf32> to vector<1x128xf32>
    %mul3A = vector.broadcast %broadcast_in_dim3A_22 : vector<1x128xf32> to vector<64x128xf32>
    %mul3A_23 = arith.mulf %get3A_1, %mul3A : vector<64x128xf32>
    %reduce_sum3A = arith.constant dense<0.000000e+00> : vector<64xf32>
    %reduce_sum3A_24 = vector.multi_reduction <add>, %mul3A_23, %reduce_sum3A [1] : vector<64x128xf32> to vector<64xf32>
    %slice3A_25 = vector.extract_strided_slice %get3A_21 {offsets = [128], sizes = [128], strides = [1]} : vector<256xf32> to vector<128xf32>
    %broadcast_in_dim3A_26 = vector.shape_cast %slice3A_25 : vector<128xf32> to vector<1x128xf32>
    %mul3A_27 = vector.broadcast %broadcast_in_dim3A_26 : vector<1x128xf32> to vector<64x128xf32>
    %mul3A_28 = arith.mulf %add3A_15, %mul3A_27 : vector<64x128xf32>
    %reduce_sum3A_29 = arith.constant dense<0.000000e+00> : vector<64xf32>
    %reduce_sum3A_30 = vector.multi_reduction <add>, %mul3A_28, %reduce_sum3A_29 [1] : vector<64x128xf32> to vector<64xf32>
    %concatenate3A = tpu.concatenate %reduce_sum3A_24, %reduce_sum3A_30 in 0 : vector<64xf32>, vector<64xf32> -> vector<128xf32>
    %reshape3A = vector.shape_cast %concatenate3A : vector<128xf32> to vector<1x128xf32>
    %swap3A_31 = arith.constant 0 : index
    %swap3A_32 = arith.constant 0 : index
    %swap3A_33 = vector.load %arg6[%swap3A_31, %swap3A_32] : memref<8x128xf32, #tpu.memory_space<vmem>>, vector<1x128xf32>
    tpu.vector_store %arg6[%swap3A_31, %swap3A_32], %reshape3A {strides = array<i32>} : memref<8x128xf32, #tpu.memory_space<vmem>>, vector<1x128xf32>,
    %get3A_34 = arith.constant 1 : index
    %get3A_35 = arith.constant 0 : index
    %get3A_36 = arith.constant 0 : index
    %get3A_37 = vector.load %arg2[%get3A_34, %get3A_35, %get3A_36] : memref<8x128x128xf32, #tpu.memory_space<vmem>>, vector<1x128x128xf32>
    %get3A_38 = vector.shape_cast %get3A_37 : vector<1x128x128xf32> to vector<128x128xf32>
    %dot_general3A_39 = arith.constant dense<0.000000e+00> : vector<64x128xf32>
    %dot_general3A_40 = tpu.matmul %get3A_4, %get3A_38, %dot_general3A_39 {dimension_numbers = #tpu.dot_dimension_numbers<[1], [0], [0], [1], [0, 0, 1, 1], [], []>, transpose_lhs_hint = false} : vector<64x128xf32>, vector<128x128xf32>, vector<64x128xf32> -> vector<64x128xf32>
    %get3A_41 = arith.constant 1 : index
    %get3A_42 = arith.constant 0 : index
    %get3A_43 = vector.load %arg3[%get3A_41, %get3A_42] : memref<8x128xf32, #tpu.memory_space<vmem>>, vector<1x128xf32>
    %get3A_44 = vector.shape_cast %get3A_43 : vector<1x128xf32> to vector<128xf32>
    %broadcast_in_dim3A_45 = vector.shape_cast %get3A_44 : vector<128xf32> to vector<1x128xf32>
    %add3A_46 = vector.broadcast %broadcast_in_dim3A_45 : vector<1x128xf32> to vector<64x128xf32>
    %add3A_47 = arith.addf %dot_general3A_40, %add3A_46 : vector<64x128xf32>
    %swap3A_48 = arith.constant 64 : index
    %swap3A_49 = arith.constant 0 : index
    %swap3A_50 = vector.load %arg5[%swap3A_48, %swap3A_49] : memref<512x128xf32, #tpu.memory_space<vmem>>, vector<64x128xf32>
    tpu.vector_store %arg5[%swap3A_48, %swap3A_49], %add3A_47 {strides = array<i32>} : memref<512x128xf32, #tpu.memory_space<vmem>>, vector<64x128xf32>,
    %get3A_51 = arith.constant 1 : index
    %get3A_52 = arith.constant 0 : index
    %get3A_53 = vector.load %arg4[%get3A_51, %get3A_52] : memref<8x256xf32, #tpu.memory_space<vmem>>, vector<1x256xf32>
    %get3A_54 = vector.shape_cast %get3A_53 : vector<1x256xf32> to vector<256xf32>
    %slice3A_55 = vector.extract_strided_slice %get3A_54 {offsets = [0], sizes = [128], strides = [1]} : vector<256xf32> to vector<128xf32>
    %broadcast_in_dim3A_56 = vector.shape_cast %slice3A_55 : vector<128xf32> to vector<1x128xf32>
    %mul3A_57 = vector.broadcast %broadcast_in_dim3A_56 : vector<1x128xf32> to vector<64x128xf32>
    %mul3A_58 = arith.mulf %get3A_1, %mul3A_57 : vector<64x128xf32>
    %reduce_sum3A_59 = arith.constant dense<0.000000e+00> : vector<64xf32>
    %reduce_sum3A_60 = vector.multi_reduction <add>, %mul3A_58, %reduce_sum3A_59 [1] : vector<64x128xf32> to vector<64xf32>
    %slice3A_61 = vector.extract_strided_slice %get3A_54 {offsets = [128], sizes = [128], strides = [1]} : vector<256xf32> to vector<128xf32>
    %broadcast_in_dim3A_62 = vector.shape_cast %slice3A_61 : vector<128xf32> to vector<1x128xf32>
    %mul3A_63 = vector.broadcast %broadcast_in_dim3A_62 : vector<1x128xf32> to vector<64x128xf32>
    %mul3A_64 = arith.mulf %add3A_47, %mul3A_63 : vector<64x128xf32>
    %reduce_sum3A_65 = arith.constant dense<0.000000e+00> : vector<64xf32>
    %reduce_sum3A_66 = vector.multi_reduction <add>, %mul3A_64, %reduce_sum3A_65 [1] : vector<64x128xf32> to vector<64xf32>
    %concatenate3A_67 = tpu.concatenate %reduce_sum3A_60, %reduce_sum3A_66 in 0 : vector<64xf32>, vector<64xf32> -> vector<128xf32>
    %reshape3A_68 = vector.shape_cast %concatenate3A_67 : vector<128xf32> to vector<1x128xf32>
    %swap3A_69 = arith.constant 1 : index
    %swap3A_70 = arith.constant 0 : index
    %swap3A_71 = vector.load %arg6[%swap3A_69, %swap3A_70] : memref<8x128xf32, #tpu.memory_space<vmem>>, vector<1x128xf32>
    tpu.vector_store %arg6[%swap3A_69, %swap3A_70], %reshape3A_68 {strides = array<i32>} : memref<8x128xf32, #tpu.memory_space<vmem>>, vector<1x128xf32>,
    %get3A_72 = arith.constant 2 : index
    %get3A_73 = arith.constant 0 : index
    %get3A_74 = arith.constant 0 : index
    %get3A_75 = vector.load %arg2[%get3A_72, %get3A_73, %get3A_74] : memref<8x128x128xf32, #tpu.memory_space<vmem>>, vector<1x128x128xf32>
    %get3A_76 = vector.shape_cast %get3A_75 : vector<1x128x128xf32> to vector<128x128xf32>
    %dot_general3A_77 = arith.constant dense<0.000000e+00> : vector<64x128xf32>
    %dot_general3A_78 = tpu.matmul %get3A_1, %get3A_76, %dot_general3A_77 {dimension_numbers = #tpu.dot_dimension_numbers<[1], [0], [0], [1], [0, 0, 1, 1], [], []>, transpose_lhs_hint = false} : vector<64x128xf32>, vector<128x128xf32>, vector<64x128xf32> -> vector<64x128xf32>
    %get3A_79 = arith.constant 2 : index
    %get3A_80 = arith.constant 0 : index
    %get3A_81 = vector.load %arg3[%get3A_79, %get3A_80] : memref<8x128xf32, #tpu.memory_space<vmem>>, vector<1x128xf32>
    %get3A_82 = vector.shape_cast %get3A_81 : vector<1x128xf32> to vector<128xf32>
    %broadcast_in_dim3A_83 = vector.shape_cast %get3A_82 : vector<128xf32> to vector<1x128xf32>
    %add3A_84 = vector.broadcast %broadcast_in_dim3A_83 : vector<1x128xf32> to vector<64x128xf32>
    %add3A_85 = arith.addf %dot_general3A_78, %add3A_84 : vector<64x128xf32>
    %swap3A_86 = arith.constant 128 : index
    %swap3A_87 = arith.constant 0 : index
    %swap3A_88 = vector.load %arg5[%swap3A_86, %swap3A_87] : memref<512x128xf32, #tpu.memory_space<vmem>>, vector<64x128xf32>
    tpu.vector_store %arg5[%swap3A_86, %swap3A_87], %add3A_85 {strides = array<i32>} : memref<512x128xf32, #tpu.memory_space<vmem>>, vector<64x128xf32>,
    %get3A_89 = arith.constant 2 : index
    %get3A_90 = arith.constant 0 : index
    %get3A_91 = vector.load %arg4[%get3A_89, %get3A_90] : memref<8x256xf32, #tpu.memory_space<vmem>>, vector<1x256xf32>
    %get3A_92 = vector.shape_cast %get3A_91 : vector<1x256xf32> to vector<256xf32>
    %slice3A_93 = vector.extract_strided_slice %get3A_92 {offsets = [0], sizes = [128], strides = [1]} : vector<256xf32> to vector<128xf32>
    %broadcast_in_dim3A_94 = vector.shape_cast %slice3A_93 : vector<128xf32> to vector<1x128xf32>
    %mul3A_95 = vector.broadcast %broadcast_in_dim3A_94 : vector<1x128xf32> to vector<64x128xf32>
    %mul3A_96 = arith.mulf %get3A_1, %mul3A_95 : vector<64x128xf32>
    %reduce_sum3A_97 = arith.constant dense<0.000000e+00> : vector<64xf32>
    %reduce_sum3A_98 = vector.multi_reduction <add>, %mul3A_96, %reduce_sum3A_97 [1] : vector<64x128xf32> to vector<64xf32>
    %slice3A_99 = vector.extract_strided_slice %get3A_92 {offsets = [128], sizes = [128], strides = [1]} : vector<256xf32> to vector<128xf32>
    %broadcast_in_dim3A_100 = vector.shape_cast %slice3A_99 : vector<128xf32> to vector<1x128xf32>
    %mul3A_101 = vector.broadcast %broadcast_in_dim3A_100 : vector<1x128xf32> to vector<64x128xf32>
    %mul3A_102 = arith.mulf %add3A_85, %mul3A_101 : vector<64x128xf32>
    %reduce_sum3A_103 = arith.constant dense<0.000000e+00> : vector<64xf32>
    %reduce_sum3A_104 = vector.multi_reduction <add>, %mul3A_102, %reduce_sum3A_103 [1] : vector<64x128xf32> to vector<64xf32>
    %concatenate3A_105 = tpu.concatenate %reduce_sum3A_98, %reduce_sum3A_104 in 0 : vector<64xf32>, vector<64xf32> -> vector<128xf32>
    %reshape3A_106 = vector.shape_cast %concatenate3A_105 : vector<128xf32> to vector<1x128xf32>
    %swap3A_107 = arith.constant 2 : index
    %swap3A_108 = arith.constant 0 : index
    %swap3A_109 = vector.load %arg6[%swap3A_107, %swap3A_108] : memref<8x128xf32, #tpu.memory_space<vmem>>, vector<1x128xf32>
    tpu.vector_store %arg6[%swap3A_107, %swap3A_108], %reshape3A_106 {strides = array<i32>} : memref<8x128xf32, #tpu.memory_space<vmem>>, vector<1x128xf32>,
    %get3A_110 = arith.constant 3 : index
    %get3A_111 = arith.constant 0 : index
    %get3A_112 = arith.constant 0 : index
    %get3A_113 = vector.load %arg2[%get3A_110, %get3A_111, %get3A_112] : memref<8x128x128xf32, #tpu.memory_space<vmem>>, vector<1x128x128xf32>
    %get3A_114 = vector.shape_cast %get3A_113 : vector<1x128x128xf32> to vector<128x128xf32>
    %dot_general3A_115 = arith.constant dense<0.000000e+00> : vector<64x128xf32>
    %dot_general3A_116 = tpu.matmul %get3A_1, %get3A_114, %dot_general3A_115 {dimension_numbers = #tpu.dot_dimension_numbers<[1], [0], [0], [1], [0, 0, 1, 1], [], []>, transpose_lhs_hint = false} : vector<64x128xf32>, vector<128x128xf32>, vector<64x128xf32> -> vector<64x128xf32>
    %get3A_117 = arith.constant 3 : index
    %get3A_118 = arith.constant 0 : index
    %get3A_119 = vector.load %arg3[%get3A_117, %get3A_118] : memref<8x128xf32, #tpu.memory_space<vmem>>, vector<1x128xf32>
    %get3A_120 = vector.shape_cast %get3A_119 : vector<1x128xf32> to vector<128xf32>
    %broadcast_in_dim3A_121 = vector.shape_cast %get3A_120 : vector<128xf32> to vector<1x128xf32>
    %add3A_122 = vector.broadcast %broadcast_in_dim3A_121 : vector<1x128xf32> to vector<64x128xf32>
    %add3A_123 = arith.addf %dot_general3A_116, %add3A_122 : vector<64x128xf32>
    %swap3A_124 = arith.constant 192 : index
    %swap3A_125 = arith.constant 0 : index
    %swap3A_126 = vector.load %arg5[%swap3A_124, %swap3A_125] : memref<512x128xf32, #tpu.memory_space<vmem>>, vector<64x128xf32>
    tpu.vector_store %arg5[%swap3A_124, %swap3A_125], %add3A_123 {strides = array<i32>} : memref<512x128xf32, #tpu.memory_space<vmem>>, vector<64x128xf32>,
    %get3A_127 = arith.constant 3 : index
    %get3A_128 = arith.constant 0 : index
    %get3A_129 = vector.load %arg4[%get3A_127, %get3A_128] : memref<8x256xf32, #tpu.memory_space<vmem>>, vector<1x256xf32>
    %get3A_130 = vector.shape_cast %get3A_129 : vector<1x256xf32> to vector<256xf32>
    %slice3A_131 = vector.extract_strided_slice %get3A_130 {offsets = [0], sizes = [128], strides = [1]} : vector<256xf32> to vector<128xf32>
    %broadcast_in_dim3A_132 = vector.shape_cast %slice3A_131 : vector<128xf32> to vector<1x128xf32>
    %mul3A_133 = vector.broadcast %broadcast_in_dim3A_132 : vector<1x128xf32> to vector<64x128xf32>
    %mul3A_134 = arith.mulf %get3A_1, %mul3A_133 : vector<64x128xf32>
    %reduce_sum3A_135 = arith.constant dense<0.000000e+00> : vector<64xf32>
    %reduce_sum3A_136 = vector.multi_reduction <add>, %mul3A_134, %reduce_sum3A_135 [1] : vector<64x128xf32> to vector<64xf32>
    %slice3A_137 = vector.extract_strided_slice %get3A_130 {offsets = [128], sizes = [128], strides = [1]} : vector<256xf32> to vector<128xf32>
    %broadcast_in_dim3A_138 = vector.shape_cast %slice3A_137 : vector<128xf32> to vector<1x128xf32>
    %mul3A_139 = vector.broadcast %broadcast_in_dim3A_138 : vector<1x128xf32> to vector<64x128xf32>
    %mul3A_140 = arith.mulf %add3A_123, %mul3A_139 : vector<64x128xf32>
    %reduce_sum3A_141 = arith.constant dense<0.000000e+00> : vector<64xf32>
    %reduce_sum3A_142 = vector.multi_reduction <add>, %mul3A_140, %reduce_sum3A_141 [1] : vector<64x128xf32> to vector<64xf32>
    %concatenate3A_143 = tpu.concatenate %reduce_sum3A_136, %reduce_sum3A_142 in 0 : vector<64xf32>, vector<64xf32> -> vector<128xf32>
    %reshape3A_144 = vector.shape_cast %concatenate3A_143 : vector<128xf32> to vector<1x128xf32>
    %swap3A_145 = arith.constant 3 : index
    %swap3A_146 = arith.constant 0 : index
    %swap3A_147 = vector.load %arg6[%swap3A_145, %swap3A_146] : memref<8x128xf32, #tpu.memory_space<vmem>>, vector<1x128xf32>
    tpu.vector_store %arg6[%swap3A_145, %swap3A_146], %reshape3A_144 {strides = array<i32>} : memref<8x128xf32, #tpu.memory_space<vmem>>, vector<1x128xf32>,
    %get3A_148 = arith.constant 4 : index
    %get3A_149 = arith.constant 0 : index
    %get3A_150 = arith.constant 0 : index
    %get3A_151 = vector.load %arg2[%get3A_148, %get3A_149, %get3A_150] : memref<8x128x128xf32, #tpu.memory_space<vmem>>, vector<1x128x128xf32>
    %get3A_152 = vector.shape_cast %get3A_151 : vector<1x128x128xf32> to vector<128x128xf32>
    %dot_general3A_153 = arith.constant dense<0.000000e+00> : vector<64x128xf32>
    %dot_general3A_154 = tpu.matmul %get3A_1, %get3A_152, %dot_general3A_153 {dimension_numbers = #tpu.dot_dimension_numbers<[1], [0], [0], [1], [0, 0, 1, 1], [], []>, transpose_lhs_hint = false} : vector<64x128xf32>, vector<128x128xf32>, vector<64x128xf32> -> vector<64x128xf32>
    %get3A_155 = arith.constant 4 : index
    %get3A_156 = arith.constant 0 : index
    %get3A_157 = vector.load %arg3[%get3A_155, %get3A_156] : memref<8x128xf32, #tpu.memory_space<vmem>>, vector<1x128xf32>
    %get3A_158 = vector.shape_cast %get3A_157 : vector<1x128xf32> to vector<128xf32>
    %broadcast_in_dim3A_159 = vector.shape_cast %get3A_158 : vector<128xf32> to vector<1x128xf32>
    %add3A_160 = vector.broadcast %broadcast_in_dim3A_159 : vector<1x128xf32> to vector<64x128xf32>
    %add3A_161 = arith.addf %dot_general3A_154, %add3A_160 : vector<64x128xf32>
    %swap3A_162 = arith.constant 256 : index
    %swap3A_163 = arith.constant 0 : index
    %swap3A_164 = vector.load %arg5[%swap3A_162, %swap3A_163] : memref<512x128xf32, #tpu.memory_space<vmem>>, vector<64x128xf32>
    tpu.vector_store %arg5[%swap3A_162, %swap3A_163], %add3A_161 {strides = array<i32>} : memref<512x128xf32, #tpu.memory_space<vmem>>, vector<64x128xf32>,
    %get3A_165 = arith.constant 4 : index
    %get3A_166 = arith.constant 0 : index
    %get3A_167 = vector.load %arg4[%get3A_165, %get3A_166] : memref<8x256xf32, #tpu.memory_space<vmem>>, vector<1x256xf32>
    %get3A_168 = vector.shape_cast %get3A_167 : vector<1x256xf32> to vector<256xf32>
    %slice3A_169 = vector.extract_strided_slice %get3A_168 {offsets = [0], sizes = [128], strides = [1]} : vector<256xf32> to vector<128xf32>
    %broadcast_in_dim3A_170 = vector.shape_cast %slice3A_169 : vector<128xf32> to vector<1x128xf32>
    %mul3A_171 = vector.broadcast %broadcast_in_dim3A_170 : vector<1x128xf32> to vector<64x128xf32>
    %mul3A_172 = arith.mulf %get3A_4, %mul3A_171 : vector<64x128xf32>
    %reduce_sum3A_173 = arith.constant dense<0.000000e+00> : vector<64xf32>
    %reduce_sum3A_174 = vector.multi_reduction <add>, %mul3A_172, %reduce_sum3A_173 [1] : vector<64x128xf32> to vector<64xf32>
    %slice3A_175 = vector.extract_strided_slice %get3A_168 {offsets = [128], sizes = [128], strides = [1]} : vector<256xf32> to vector<128xf32>
    %broadcast_in_dim3A_176 = vector.shape_cast %slice3A_175 : vector<128xf32> to vector<1x128xf32>
    %mul3A_177 = vector.broadcast %broadcast_in_dim3A_176 : vector<1x128xf32> to vector<64x128xf32>
    %mul3A_178 = arith.mulf %add3A_161, %mul3A_177 : vector<64x128xf32>
    %reduce_sum3A_179 = arith.constant dense<0.000000e+00> : vector<64xf32>
    %reduce_sum3A_180 = vector.multi_reduction <add>, %mul3A_178, %reduce_sum3A_179 [1] : vector<64x128xf32> to vector<64xf32>
    %concatenate3A_181 = tpu.concatenate %reduce_sum3A_174, %reduce_sum3A_180 in 0 : vector<64xf32>, vector<64xf32> -> vector<128xf32>
    %reshape3A_182 = vector.shape_cast %concatenate3A_181 : vector<128xf32> to vector<1x128xf32>
    %swap3A_183 = arith.constant 4 : index
    %swap3A_184 = arith.constant 0 : index
    %swap3A_185 = vector.load %arg6[%swap3A_183, %swap3A_184] : memref<8x128xf32, #tpu.memory_space<vmem>>, vector<1x128xf32>
    tpu.vector_store %arg6[%swap3A_183, %swap3A_184], %reshape3A_182 {strides = array<i32>} : memref<8x128xf32, #tpu.memory_space<vmem>>, vector<1x128xf32>,
    %get3A_186 = arith.constant 5 : index
    %get3A_187 = arith.constant 0 : index
    %get3A_188 = arith.constant 0 : index
    %get3A_189 = vector.load %arg2[%get3A_186, %get3A_187, %get3A_188] : memref<8x128x128xf32, #tpu.memory_space<vmem>>, vector<1x128x128xf32>
    %get3A_190 = vector.shape_cast %get3A_189 : vector<1x128x128xf32> to vector<128x128xf32>
    %dot_general3A_191 = arith.constant dense<0.000000e+00> : vector<64x128xf32>
    %dot_general3A_192 = tpu.matmul %get3A_1, %get3A_190, %dot_general3A_191 {dimension_numbers = #tpu.dot_dimension_numbers<[1], [0], [0], [1], [0, 0, 1, 1], [], []>, transpose_lhs_hint = false} : vector<64x128xf32>, vector<128x128xf32>, vector<64x128xf32> -> vector<64x128xf32>
    %get3A_193 = arith.constant 5 : index
    %get3A_194 = arith.constant 0 : index
    %get3A_195 = vector.load %arg3[%get3A_193, %get3A_194] : memref<8x128xf32, #tpu.memory_space<vmem>>, vector<1x128xf32>
    %get3A_196 = vector.shape_cast %get3A_195 : vector<1x128xf32> to vector<128xf32>
    %broadcast_in_dim3A_197 = vector.shape_cast %get3A_196 : vector<128xf32> to vector<1x128xf32>
    %add3A_198 = vector.broadcast %broadcast_in_dim3A_197 : vector<1x128xf32> to vector<64x128xf32>
    %add3A_199 = arith.addf %dot_general3A_192, %add3A_198 : vector<64x128xf32>
    %swap3A_200 = arith.constant 320 : index
    %swap3A_201 = arith.constant 0 : index
    %swap3A_202 = vector.load %arg5[%swap3A_200, %swap3A_201] : memref<512x128xf32, #tpu.memory_space<vmem>>, vector<64x128xf32>
    tpu.vector_store %arg5[%swap3A_200, %swap3A_201], %add3A_199 {strides = array<i32>} : memref<512x128xf32, #tpu.memory_space<vmem>>, vector<64x128xf32>,
    %get3A_203 = arith.constant 5 : index
    %get3A_204 = arith.constant 0 : index
    %get3A_205 = vector.load %arg4[%get3A_203, %get3A_204] : memref<8x256xf32, #tpu.memory_space<vmem>>, vector<1x256xf32>
    %get3A_206 = vector.shape_cast %get3A_205 : vector<1x256xf32> to vector<256xf32>
    %slice3A_207 = vector.extract_strided_slice %get3A_206 {offsets = [0], sizes = [128], strides = [1]} : vector<256xf32> to vector<128xf32>
    %broadcast_in_dim3A_208 = vector.shape_cast %slice3A_207 : vector<128xf32> to vector<1x128xf32>
    %mul3A_209 = vector.broadcast %broadcast_in_dim3A_208 : vector<1x128xf32> to vector<64x128xf32>
    %mul3A_210 = arith.mulf %get3A_4, %mul3A_209 : vector<64x128xf32>
    %reduce_sum3A_211 = arith.constant dense<0.000000e+00> : vector<64xf32>
    %reduce_sum3A_212 = vector.multi_reduction <add>, %mul3A_210, %reduce_sum3A_211 [1] : vector<64x128xf32> to vector<64xf32>
    %slice3A_213 = vector.extract_strided_slice %get3A_206 {offsets = [128], sizes = [128], strides = [1]} : vector<256xf32> to vector<128xf32>
    %broadcast_in_dim3A_214 = vector.shape_cast %slice3A_213 : vector<128xf32> to vector<1x128xf32>
    %mul3A_215 = vector.broadcast %broadcast_in_dim3A_214 : vector<1x128xf32> to vector<64x128xf32>
    %mul3A_216 = arith.mulf %add3A_199, %mul3A_215 : vector<64x128xf32>
    %reduce_sum3A_217 = arith.constant dense<0.000000e+00> : vector<64xf32>
    %reduce_sum3A_218 = vector.multi_reduction <add>, %mul3A_216, %reduce_sum3A_217 [1] : vector<64x128xf32> to vector<64xf32>
    %concatenate3A_219 = tpu.concatenate %reduce_sum3A_212, %reduce_sum3A_218 in 0 : vector<64xf32>, vector<64xf32> -> vector<128xf32>
    %reshape3A_220 = vector.shape_cast %concatenate3A_219 : vector<128xf32> to vector<1x128xf32>
    %swap3A_221 = arith.constant 5 : index
    %swap3A_222 = arith.constant 0 : index
    %swap3A_223 = vector.load %arg6[%swap3A_221, %swap3A_222] : memref<8x128xf32, #tpu.memory_space<vmem>>, vector<1x128xf32>
    tpu.vector_store %arg6[%swap3A_221, %swap3A_222], %reshape3A_220 {strides = array<i32>} : memref<8x128xf32, #tpu.memory_space<vmem>>, vector<1x128xf32>,
    %get3A_224 = arith.constant 6 : index
    %get3A_225 = arith.constant 0 : index
    %get3A_226 = arith.constant 0 : index
    %get3A_227 = vector.load %arg2[%get3A_224, %get3A_225, %get3A_226] : memref<8x128x128xf32, #tpu.memory_space<vmem>>, vector<1x128x128xf32>
    %get3A_228 = vector.shape_cast %get3A_227 : vector<1x128x128xf32> to vector<128x128xf32>
    %dot_general3A_229 = arith.constant dense<0.000000e+00> : vector<64x128xf32>
    %dot_general3A_230 = tpu.matmul %get3A_4, %get3A_228, %dot_general3A_229 {dimension_numbers = #tpu.dot_dimension_numbers<[1], [0], [0], [1], [0, 0, 1, 1], [], []>, transpose_lhs_hint = false} : vector<64x128xf32>, vector<128x128xf32>, vector<64x128xf32> -> vector<64x128xf32>
    %get3A_231 = arith.constant 6 : index
    %get3A_232 = arith.constant 0 : index
    %get3A_233 = vector.load %arg3[%get3A_231, %get3A_232] : memref<8x128xf32, #tpu.memory_space<vmem>>, vector<1x128xf32>
    %get3A_234 = vector.shape_cast %get3A_233 : vector<1x128xf32> to vector<128xf32>
    %broadcast_in_dim3A_235 = vector.shape_cast %get3A_234 : vector<128xf32> to vector<1x128xf32>
    %add3A_236 = vector.broadcast %broadcast_in_dim3A_235 : vector<1x128xf32> to vector<64x128xf32>
    %add3A_237 = arith.addf %dot_general3A_230, %add3A_236 : vector<64x128xf32>
    %swap3A_238 = arith.constant 384 : index
    %swap3A_239 = arith.constant 0 : index
    %swap3A_240 = vector.load %arg5[%swap3A_238, %swap3A_239] : memref<512x128xf32, #tpu.memory_space<vmem>>, vector<64x128xf32>
    tpu.vector_store %arg5[%swap3A_238, %swap3A_239], %add3A_237 {strides = array<i32>} : memref<512x128xf32, #tpu.memory_space<vmem>>, vector<64x128xf32>,
    %get3A_241 = arith.constant 6 : index
    %get3A_242 = arith.constant 0 : index
    %get3A_243 = vector.load %arg4[%get3A_241, %get3A_242] : memref<8x256xf32, #tpu.memory_space<vmem>>, vector<1x256xf32>
    %get3A_244 = vector.shape_cast %get3A_243 : vector<1x256xf32> to vector<256xf32>
    %slice3A_245 = vector.extract_strided_slice %get3A_244 {offsets = [0], sizes = [128], strides = [1]} : vector<256xf32> to vector<128xf32>
    %broadcast_in_dim3A_246 = vector.shape_cast %slice3A_245 : vector<128xf32> to vector<1x128xf32>
    %mul3A_247 = vector.broadcast %broadcast_in_dim3A_246 : vector<1x128xf32> to vector<64x128xf32>
    %mul3A_248 = arith.mulf %get3A_4, %mul3A_247 : vector<64x128xf32>
    %reduce_sum3A_249 = arith.constant dense<0.000000e+00> : vector<64xf32>
    %reduce_sum3A_250 = vector.multi_reduction <add>, %mul3A_248, %reduce_sum3A_249 [1] : vector<64x128xf32> to vector<64xf32>
    %slice3A_251 = vector.extract_strided_slice %get3A_244 {offsets = [128], sizes = [128], strides = [1]} : vector<256xf32> to vector<128xf32>
    %broadcast_in_dim3A_252 = vector.shape_cast %slice3A_251 : vector<128xf32> to vector<1x128xf32>
    %mul3A_253 = vector.broadcast %broadcast_in_dim3A_252 : vector<1x128xf32> to vector<64x128xf32>
    %mul3A_254 = arith.mulf %add3A_237, %mul3A_253 : vector<64x128xf32>
    %reduce_sum3A_255 = arith.constant dense<0.000000e+00> : vector<64xf32>
    %reduce_sum3A_256 = vector.multi_reduction <add>, %mul3A_254, %reduce_sum3A_255 [1] : vector<64x128xf32> to vector<64xf32>
    %concatenate3A_257 = tpu.concatenate %reduce_sum3A_250, %reduce_sum3A_256 in 0 : vector<64xf32>, vector<64xf32> -> vector<128xf32>
    %reshape3A_258 = vector.shape_cast %concatenate3A_257 : vector<128xf32> to vector<1x128xf32>
    %swap3A_259 = arith.constant 6 : index
    %swap3A_260 = arith.constant 0 : index
    %swap3A_261 = vector.load %arg6[%swap3A_259, %swap3A_260] : memref<8x128xf32, #tpu.memory_space<vmem>>, vector<1x128xf32>
    tpu.vector_store %arg6[%swap3A_259, %swap3A_260], %reshape3A_258 {strides = array<i32>} : memref<8x128xf32, #tpu.memory_space<vmem>>, vector<1x128xf32>,
    %get3A_262 = arith.constant 7 : index
    %get3A_263 = arith.constant 0 : index
    %get3A_264 = arith.constant 0 : index
    %get3A_265 = vector.load %arg2[%get3A_262, %get3A_263, %get3A_264] : memref<8x128x128xf32, #tpu.memory_space<vmem>>, vector<1x128x128xf32>
    %get3A_266 = vector.shape_cast %get3A_265 : vector<1x128x128xf32> to vector<128x128xf32>
    %dot_general3A_267 = arith.constant dense<0.000000e+00> : vector<64x128xf32>
    %dot_general3A_268 = tpu.matmul %get3A_4, %get3A_266, %dot_general3A_267 {dimension_numbers = #tpu.dot_dimension_numbers<[1], [0], [0], [1], [0, 0, 1, 1], [], []>, transpose_lhs_hint = false} : vector<64x128xf32>, vector<128x128xf32>, vector<64x128xf32> -> vector<64x128xf32>
    %get3A_269 = arith.constant 7 : index
    %get3A_270 = arith.constant 0 : index
    %get3A_271 = vector.load %arg3[%get3A_269, %get3A_270] : memref<8x128xf32, #tpu.memory_space<vmem>>, vector<1x128xf32>
    %get3A_272 = vector.shape_cast %get3A_271 : vector<1x128xf32> to vector<128xf32>
    %broadcast_in_dim3A_273 = vector.shape_cast %get3A_272 : vector<128xf32> to vector<1x128xf32>
    %add3A_274 = vector.broadcast %broadcast_in_dim3A_273 : vector<1x128xf32> to vector<64x128xf32>
    %add3A_275 = arith.addf %dot_general3A_268, %add3A_274 : vector<64x128xf32>
    %swap3A_276 = arith.constant 448 : index
    %swap3A_277 = arith.constant 0 : index
    %swap3A_278 = vector.load %arg5[%swap3A_276, %swap3A_277] : memref<512x128xf32, #tpu.memory_space<vmem>>, vector<64x128xf32>
    tpu.vector_store %arg5[%swap3A_276, %swap3A_277], %add3A_275 {strides = array<i32>} : memref<512x128xf32, #tpu.memory_space<vmem>>, vector<64x128xf32>,
    %get3A_279 = arith.constant 7 : index
    %get3A_280 = arith.constant 0 : index
    %get3A_281 = vector.load %arg4[%get3A_279, %get3A_280] : memref<8x256xf32, #tpu.memory_space<vmem>>, vector<1x256xf32>
    %get3A_282 = vector.shape_cast %get3A_281 : vector<1x256xf32> to vector<256xf32>
    %slice3A_283 = vector.extract_strided_slice %get3A_282 {offsets = [0], sizes = [128], strides = [1]} : vector<256xf32> to vector<128xf32>
    %broadcast_in_dim3A_284 = vector.shape_cast %slice3A_283 : vector<128xf32> to vector<1x128xf32>
    %mul3A_285 = vector.broadcast %broadcast_in_dim3A_284 : vector<1x128xf32> to vector<64x128xf32>
    %mul3A_286 = arith.mulf %get3A_4, %mul3A_285 : vector<64x128xf32>
    %reduce_sum3A_287 = arith.constant dense<0.000000e+00> : vector<64xf32>
    %reduce_sum3A_288 = vector.multi_reduction <add>, %mul3A_286, %reduce_sum3A_287 [1] : vector<64x128xf32> to vector<64xf32>
    %slice3A_289 = vector.extract_strided_slice %get3A_282 {offsets = [128], sizes = [128], strides = [1]} : vector<256xf32> to vector<128xf32>
    %broadcast_in_dim3A_290 = vector.shape_cast %slice3A_289 : vector<128xf32> to vector<1x128xf32>
    %mul3A_291 = vector.broadcast %broadcast_in_dim3A_290 : vector<1x128xf32> to vector<64x128xf32>
    %mul3A_292 = arith.mulf %add3A_275, %mul3A_291 : vector<64x128xf32>
    %reduce_sum3A_293 = arith.constant dense<0.000000e+00> : vector<64xf32>
    %reduce_sum3A_294 = vector.multi_reduction <add>, %mul3A_292, %reduce_sum3A_293 [1] : vector<64x128xf32> to vector<64xf32>
    %concatenate3A_295 = tpu.concatenate %reduce_sum3A_288, %reduce_sum3A_294 in 0 : vector<64xf32>, vector<64xf32> -> vector<128xf32>
    %reshape3A_296 = vector.shape_cast %concatenate3A_295 : vector<128xf32> to vector<1x128xf32>
    %swap3A_297 = arith.constant 7 : index
    %swap3A_298 = arith.constant 0 : index
    %swap3A_299 = vector.load %arg6[%swap3A_297, %swap3A_298] : memref<8x128xf32, #tpu.memory_space<vmem>>, vector<1x128xf32>
    tpu.vector_store %arg6[%swap3A_297, %swap3A_298], %reshape3A_296 {strides = array<i32>} : memref<8x128xf32, #tpu.memory_space<vmem>>, vector<1x128xf32>,
    return
  }
}

module attributes {stable_mosaic.version = 14 : i64} {
  func.func @_phase_c(%arg0: memref<64x128xf32, #tpu.memory_space<vmem>>, %arg1: memref<64x128xf32, #tpu.memory_space<vmem>>, %arg2: memref<512x128xf32, #tpu.memory_space<vmem>>, %arg3: memref<640x256xf32, #tpu.memory_space<vmem>>, %arg4: memref<256xf32, #tpu.memory_space<vmem>>, %arg5: memref<1x1xf32, #tpu.memory_space<vmem>>, %arg6: memref<256x128xf32, #tpu.memory_space<vmem>>, %arg7: memref<128xf32, #tpu.memory_space<vmem>>, %arg8: memref<64x128xf32, #tpu.memory_space<vmem>>, %arg9: memref<64x128xf32, #tpu.memory_space<vmem>>) attributes {dimension_semantics = [], scalar_prefetch = 0 : i64, scratch_operands = 0 : i64, tpu.core_type = #tpu.core_type<tc>} {
    %get3A = arith.constant 0 : index
    %get3A_0 = arith.constant 0 : index
    %get3A_1 = vector.load %arg5[%get3A, %get3A_0] : memref<1x1xf32, #tpu.memory_space<vmem>>, vector<1x1xf32>
    %get3A_2 = vector.extract %get3A_1[0, 0] : f32 from vector<1x1xf32>
    %get3A_3 = arith.constant 0 : index
    %get3A_4 = arith.constant 0 : index
    %get3A_5 = vector.load %arg0[%get3A_3, %get3A_4] : memref<64x128xf32, #tpu.memory_space<vmem>>, vector<64x128xf32>
    %get3A_6 = arith.constant 0 : index
    %get3A_7 = arith.constant 0 : index
    %get3A_8 = vector.load %arg2[%get3A_6, %get3A_7] : memref<512x128xf32, #tpu.memory_space<vmem>>, vector<64x128xf32>
    %get3A_9 = arith.constant 64 : index
    %get3A_10 = arith.constant 0 : index
    %get3A_11 = vector.load %arg2[%get3A_9, %get3A_10] : memref<512x128xf32, #tpu.memory_space<vmem>>, vector<64x128xf32>
    %get3A_12 = arith.constant 128 : index
    %get3A_13 = arith.constant 0 : index
    %get3A_14 = vector.load %arg2[%get3A_12, %get3A_13] : memref<512x128xf32, #tpu.memory_space<vmem>>, vector<64x128xf32>
    %get3A_15 = arith.constant 192 : index
    %get3A_16 = arith.constant 0 : index
    %get3A_17 = vector.load %arg2[%get3A_15, %get3A_16] : memref<512x128xf32, #tpu.memory_space<vmem>>, vector<64x128xf32>
    %concatenate3A = tpu.concatenate %get3A_5, %get3A_8, %get3A_11, %get3A_14, %get3A_17 in 1 : vector<64x128xf32>, vector<64x128xf32>, vector<64x128xf32>, vector<64x128xf32>, vector<64x128xf32> -> vector<64x640xf32>
    %get3A_18 = arith.constant 0 : index
    %get3A_19 = arith.constant 0 : index
    %get3A_20 = vector.load %arg3[%get3A_18, %get3A_19] : memref<640x256xf32, #tpu.memory_space<vmem>>, vector<640x256xf32>
    %dot_general3A = arith.constant dense<0.000000e+00> : vector<64x256xf32>
    %dot_general3A_21 = tpu.matmul %concatenate3A, %get3A_20, %dot_general3A {dimension_numbers = #tpu.dot_dimension_numbers<[1], [0], [0], [1], [0, 0, 1, 1], [], []>, transpose_lhs_hint = false} : vector<64x640xf32>, vector<640x256xf32>, vector<64x256xf32> -> vector<64x256xf32>
    %get3A_22 = arith.constant 0 : index
    %get3A_23 = vector.load %arg4[%get3A_22] : memref<256xf32, #tpu.memory_space<vmem>>, vector<256xf32>
    %broadcast_in_dim3A = vector.shape_cast %get3A_23 : vector<256xf32> to vector<1x256xf32>
    %add3A = vector.broadcast %broadcast_in_dim3A : vector<1x256xf32> to vector<64x256xf32>
    %add3A_24 = arith.addf %dot_general3A_21, %add3A : vector<64x256xf32>
    %ge3A = arith.constant 0.000000e+00 : f32
    %ge3A_25 = vector.broadcast %ge3A : f32 to vector<64x256xf32>
    %ge3A_26 = arith.cmpf oge, %add3A_24, %ge3A_25 : vector<64x256xf32>
    %mul3A = vector.broadcast %get3A_2 : f32 to vector<64x256xf32>
    %mul3A_27 = arith.mulf %mul3A, %add3A_24 : vector<64x256xf32>
    %select_n3A = arith.select %ge3A_26, %add3A_24, %mul3A_27 : vector<64x256xi1>, vector<64x256xf32>
    %get3A_28 = arith.constant 0 : index
    %get3A_29 = arith.constant 0 : index
    %get3A_30 = vector.load %arg6[%get3A_28, %get3A_29] : memref<256x128xf32, #tpu.memory_space<vmem>>, vector<256x128xf32>
    %dot_general3A_31 = arith.constant dense<0.000000e+00> : vector<64x128xf32>
    %dot_general3A_32 = tpu.matmul %select_n3A, %get3A_30, %dot_general3A_31 {dimension_numbers = #tpu.dot_dimension_numbers<[1], [0], [0], [1], [0, 0, 1, 1], [], []>, transpose_lhs_hint = false} : vector<64x256xf32>, vector<256x128xf32>, vector<64x128xf32> -> vector<64x128xf32>
    %get3A_33 = arith.constant 0 : index
    %get3A_34 = vector.load %arg7[%get3A_33] : memref<128xf32, #tpu.memory_space<vmem>>, vector<128xf32>
    %broadcast_in_dim3A_35 = vector.shape_cast %get3A_34 : vector<128xf32> to vector<1x128xf32>
    %add3A_36 = vector.broadcast %broadcast_in_dim3A_35 : vector<1x128xf32> to vector<64x128xf32>
    %add3A_37 = arith.addf %dot_general3A_32, %add3A_36 : vector<64x128xf32>
    %swap3A = arith.constant 0 : index
    %swap3A_38 = arith.constant 0 : index
    %swap3A_39 = vector.load %arg8[%swap3A, %swap3A_38] : memref<64x128xf32, #tpu.memory_space<vmem>>, vector<64x128xf32>
    tpu.vector_store %arg8[%swap3A, %swap3A_38], %add3A_37 {strides = array<i32>} : memref<64x128xf32, #tpu.memory_space<vmem>>, vector<64x128xf32>,
    %get3A_40 = arith.constant 0 : index
    %get3A_41 = arith.constant 0 : index
    %get3A_42 = vector.load %arg1[%get3A_40, %get3A_41] : memref<64x128xf32, #tpu.memory_space<vmem>>, vector<64x128xf32>
    %get3A_43 = arith.constant 256 : index
    %get3A_44 = arith.constant 0 : index
    %get3A_45 = vector.load %arg2[%get3A_43, %get3A_44] : memref<512x128xf32, #tpu.memory_space<vmem>>, vector<64x128xf32>
    %get3A_46 = arith.constant 320 : index
    %get3A_47 = arith.constant 0 : index
    %get3A_48 = vector.load %arg2[%get3A_46, %get3A_47] : memref<512x128xf32, #tpu.memory_space<vmem>>, vector<64x128xf32>
    %get3A_49 = arith.constant 384 : index
    %get3A_50 = arith.constant 0 : index
    %get3A_51 = vector.load %arg2[%get3A_49, %get3A_50] : memref<512x128xf32, #tpu.memory_space<vmem>>, vector<64x128xf32>
    %get3A_52 = arith.constant 448 : index
    %get3A_53 = arith.constant 0 : index
    %get3A_54 = vector.load %arg2[%get3A_52, %get3A_53] : memref<512x128xf32, #tpu.memory_space<vmem>>, vector<64x128xf32>
    %concatenate3A_55 = tpu.concatenate %get3A_42, %get3A_45, %get3A_48, %get3A_51, %get3A_54 in 1 : vector<64x128xf32>, vector<64x128xf32>, vector<64x128xf32>, vector<64x128xf32>, vector<64x128xf32> -> vector<64x640xf32>
    %get3A_56 = arith.constant 0 : index
    %get3A_57 = arith.constant 0 : index
    %get3A_58 = vector.load %arg3[%get3A_56, %get3A_57] : memref<640x256xf32, #tpu.memory_space<vmem>>, vector<640x256xf32>
    %dot_general3A_59 = arith.constant dense<0.000000e+00> : vector<64x256xf32>
    %dot_general3A_60 = tpu.matmul %concatenate3A_55, %get3A_58, %dot_general3A_59 {dimension_numbers = #tpu.dot_dimension_numbers<[1], [0], [0], [1], [0, 0, 1, 1], [], []>, transpose_lhs_hint = false} : vector<64x640xf32>, vector<640x256xf32>, vector<64x256xf32> -> vector<64x256xf32>
    %get3A_61 = arith.constant 0 : index
    %get3A_62 = vector.load %arg4[%get3A_61] : memref<256xf32, #tpu.memory_space<vmem>>, vector<256xf32>
    %broadcast_in_dim3A_63 = vector.shape_cast %get3A_62 : vector<256xf32> to vector<1x256xf32>
    %add3A_64 = vector.broadcast %broadcast_in_dim3A_63 : vector<1x256xf32> to vector<64x256xf32>
    %add3A_65 = arith.addf %dot_general3A_60, %add3A_64 : vector<64x256xf32>
    %ge3A_66 = arith.constant 0.000000e+00 : f32
    %ge3A_67 = vector.broadcast %ge3A_66 : f32 to vector<64x256xf32>
    %ge3A_68 = arith.cmpf oge, %add3A_65, %ge3A_67 : vector<64x256xf32>
    %mul3A_69 = vector.broadcast %get3A_2 : f32 to vector<64x256xf32>
    %mul3A_70 = arith.mulf %mul3A_69, %add3A_65 : vector<64x256xf32>
    %select_n3A_71 = arith.select %ge3A_68, %add3A_65, %mul3A_70 : vector<64x256xi1>, vector<64x256xf32>
    %get3A_72 = arith.constant 0 : index
    %get3A_73 = arith.constant 0 : index
    %get3A_74 = vector.load %arg6[%get3A_72, %get3A_73] : memref<256x128xf32, #tpu.memory_space<vmem>>, vector<256x128xf32>
    %dot_general3A_75 = arith.constant dense<0.000000e+00> : vector<64x128xf32>
    %dot_general3A_76 = tpu.matmul %select_n3A_71, %get3A_74, %dot_general3A_75 {dimension_numbers = #tpu.dot_dimension_numbers<[1], [0], [0], [1], [0, 0, 1, 1], [], []>, transpose_lhs_hint = false} : vector<64x256xf32>, vector<256x128xf32>, vector<64x128xf32> -> vector<64x128xf32>
    %get3A_77 = arith.constant 0 : index
    %get3A_78 = vector.load %arg7[%get3A_77] : memref<128xf32, #tpu.memory_space<vmem>>, vector<128xf32>
    %broadcast_in_dim3A_79 = vector.shape_cast %get3A_78 : vector<128xf32> to vector<1x128xf32>
    %add3A_80 = vector.broadcast %broadcast_in_dim3A_79 : vector<1x128xf32> to vector<64x128xf32>
    %add3A_81 = arith.addf %dot_general3A_76, %add3A_80 : vector<64x128xf32>
    %swap3A_82 = arith.constant 0 : index
    %swap3A_83 = arith.constant 0 : index
    %swap3A_84 = vector.load %arg9[%swap3A_82, %swap3A_83] : memref<64x128xf32, #tpu.memory_space<vmem>>, vector<64x128xf32>
    tpu.vector_store %arg9[%swap3A_82, %swap3A_83], %add3A_81 {strides = array<i32>} : memref<64x128xf32, #tpu.memory_space<vmem>>, vector<64x128xf32>,
    return
  }
}

</mosaic_0001>

<sc_bundles>
// kernel: kernel.5.cloned.1.call-start
scs
__scs_entry_jumppad:
0x0: {  	(pc) =	sbr.rel $0x88, $3  }
0x1: {  	(tag) =	ssettag $0x0;
	lr =	simm.s32 $0x1  }
0x2: {  	[smem:$0x3F95] =	sst lr;
	_ =	strace $0xD0000000  }
0x3: {  	_ = 	snop  }
0x4: {  	_ = 	snop  }
0x5: {  	_ = 	snop  }
0x6: {  	_ = 	snop  }
0x7: {  	_ = 	snop  }
__scs_overlays_trampoline_lowered:
0x8: {  	[smem:$0x3FA4] =	sst s0  }
0x9: {  	[smem:$0x3FA5] =	sst s1  }
0xa: {  	[smem:$0x3FA6] =	sst s2  }
0xb: {  	[smem:$0x3FA7] =	sst s3  }
0xc: {  	[smem:$0x3FA8] =	sst s4  }
0xd: {  	[smem:$0x3FA9] =	sst s5  }
0xe: {  	[smem:$0x3FAA] =	sst s6  }
0xf: {  	[smem:$0x3FAB] =	sst s7  }
0x10: {  	[smem:$0x3FAC] =	sst s8  }
0x11: {  	[smem:$0x3FAD] =	sst s9;
	s0 =	simm.s32 @!p0 $0x0  }
0x12: {  	s1 =	sld [smem:$0x3F93];
	s0 =	simm.s32 @p0 $0x1  }
0x13: {  	[smem:$0x3FAE] =	sst s0;
	s0 =	simm.s32 @!p1 $0x0  }
0x14: {  	s2 =	sld [smem:$0x3F92];
	s0 =	simm.s32 @p1 $0x1  }
0x15: {  	[smem:$0x3FAF] =	sst s0;
	s0 =	simm.s32 @!p2 $0x0  }
0x16: {  	s3 =	sld [smem:$0x3FDB];
	s0 =	simm.s32 @p2 $0x1  }
0x17: {  	s4 =	simm.s32 $0x1BF5;
	[smem:$0x3FB1] =	sst s0  }
0x18: {  	s0 =	sld [smem:$0x3F94];
	_ =	swait.ge [sflag:s4], $0x0  }
0x19: {  	s7 =	sld [smem:$0x3F95]  }
0x1a: {  	s8 =	sadd.s32 $0xFFFFE003, lr  }
0x1b: {  	s9 =	sadd.s32 $0xFFFFFEF7, lr;
	s5 =	simm.s32 $0xFFFFFFFF;
	p2 =	slt.u32 s8, $0xFFFFF086  }
0x1c: {  	p1 =	slt.u32 s9, $0xF7A;
	s5 =	simm.s32 @!p2 $0x0  }
0x1d: {  	s5 =	simm.s32 @p1 $0x1;
	p0 =	seq.s32 s7, s2  }
0x1e: {  	s7 =	smul.u32 @!p0 $0xF7A, s2;
	p2 =	seq.s32 @!p0 s5, $0x0  }
0x1f: {  	s9 =	smul.u32 $0xF7A, s1;
	s8 =	simm.s32 @!p0 $0x1BF5;
	p2 =	por !p2, p0  }
0x20: {  	[sflag:s8] =	ssyncset.s32 @!p0 $0xFFFFF086;
	s6 =	sadd.s32 @!p0 s3, s7;
	s7 =	simm.s32 @!p0 $0x108  }
0x21: {  	s3 =	sadd.s32 s3, s9;
	s6 =	sadd.s32 @!p0 $0x88, s6;
	s7 =	simm.s32 @p2 $0x1082  }
0x22: {  	[simem:s7], [sflag:s8] =	dma.local @!p0 [hbm:s6], $0xF7A  }
0x23: {  	s9 =	sor.u32 $0xD0000000, s2;
	s6 =	simm.s32 $0x108;
	_ =	swait.ge @!p0 [sflag:s8], $0x0  }
0x24: {  	s3 =	sadd.s32 $0x88, s3;
	s6 =	simm.s32 @!p1 $0x1082;
	[sflag:s4] =	ssyncset.s32 $0xFFFFF086  }
0x25: {  	[simem:s6], [sflag:s4] =	dma.local [hbm:s3], $0xF7A  }
0x26: {  	[smem:$0x3F95] =	sst s1;
	(tag) =	ssettag s2;
	_ =	strace s9  }
0x27: {  	s1 =	sld [smem:$0x3FA5]  }
0x28: {  	s2 =	sld [smem:$0x3FA6]  }
0x29: {  	s4 =	sld [smem:$0x3FA8]  }
0x2a: {  	p0 =	seq.s32 s5, $0x0;
	s5 =	sld [smem:$0x3FA9]  }
0x2b: {  	s6 =	sld [smem:$0x3FAA]  }
0x2c: {  	s7 =	sld [smem:$0x3FAB]  }
0x2d: {  	s3 =	simm.s32 $0x108;
	s8 =	sld [smem:$0x3FAC]  }
0x2e: {  	s3 =	simm.s32 @!p0 $0x1082;
	s9 =	sld [smem:$0x3FAD]  }
0x2f: {  	lr =	sadd.s32 s0, s3;
	s0 =	sld [smem:$0x3FA4]  }
0x30: {  	s3 =	sld [smem:$0x3FA7]  }
0x31: {  	[smem:$0x3FB0] =	sst s10  }
0x32: {  	s10 =	sld [smem:$0x3FAE];
	_ =	sdelay $0x3  }
0x33: {  	p0 =	seq.s32 s10, $0x1;
	s10 =	sld [smem:$0x3FB0];
	_ =	sdelay $0x3  }
0x34: {  	[smem:$0x3FB0] =	sst s10  }
0x35: {  	s10 =	sld [smem:$0x3FAF];
	_ =	sdelay $0x3  }
0x36: {  	p1 =	seq.s32 s10, $0x1;
	s10 =	sld [smem:$0x3FB0];
	_ =	sdelay $0x3  }
0x37: {  	[smem:$0x3FB0] =	sst s10  }
0x38: {  	s10 =	sld [smem:$0x3FB1]  }
0x39: {  	_ = 	snop;
	(pc) =	sbr.ind lr, $3  }
0x3a: {  	_ = 	snop  }
0x3b: {  	_ = 	snop  }
0x3c: {  	p2 =	seq.s32 s10, $0x1;
	s10 =	sld [smem:$0x3FB0]  }
0x3d: {  	_ =	shalt  }
0x3e: {  	_ =	shalt  }
0x3f: {  	_ =	shalt  }
0x40: {  	_ =	shalt  }
0x41: {  	_ =	shalt  }
0x42: {  	_ =	shalt  }
0x43: {  	_ =	shalt  }
0x44: {  	_ =	shalt  }
0x45: {  	_ =	shalt  }
0x46: {  	_ =	shalt  }
0x47: {  	_ =	shalt  }
0x48: {  	_ =	shalt  }
0x49: {  	_ =	shalt  }
0x4a: {  	_ =	shalt  }
0x4b: {  	_ =	shalt  }
0x4c: {  	_ =	shalt  }
0x4d: {  	_ =	shalt  }
0x4e: {  	_ =	shalt  }
0x4f: {  	_ =	shalt  }
0x50: {  	_ =	shalt  }
0x51: {  	_ =	shalt  }
0x52: {  	_ =	shalt  }
0x53: {  	_ =	shalt  }
0x54: {  	_ =	shalt  }
0x55: {  	_ =	shalt  }
0x56: {  	_ =	shalt  }
0x57: {  	_ =	shalt  }
0x58: {  	_ =	shalt  }
0x59: {  	_ =	shalt  }
0x5a: {  	_ =	shalt  }
0x5b: {  	_ =	shalt  }
0x5c: {  	_ =	shalt  }
0x5d: {  	_ =	shalt  }
0x5e: {  	_ =	shalt  }
0x5f: {  	_ =	shalt  }
0x60: {  	_ =	shalt  }
0x61: {  	_ =	shalt  }
0x62: {  	_ =	shalt  }
0x63: {  	_ =	shalt  }
0x64: {  	_ =	shalt  }
0x65: {  	_ =	shalt  }
0x66: {  	_ =	shalt  }
0x67: {  	_ =	shalt  }
0x68: {  	_ =	shalt  }
0x69: {  	_ =	shalt  }
0x6a: {  	_ =	shalt  }
0x6b: {  	_ =	shalt  }
0x6c: {  	_ =	shalt  }
0x6d: {  	_ =	shalt  }
0x6e: {  	_ =	shalt  }
0x6f: {  	_ =	shalt  }
0x70: {  	_ =	shalt  }
0x71: {  	_ =	shalt  }
0x72: {  	_ =	shalt  }
0x73: {  	_ =	shalt  }
0x74: {  	_ =	shalt  }
0x75: {  	_ =	shalt  }
0x76: {  	_ =	shalt  }
0x77: {  	_ =	shalt  }
0x78: {  	_ =	shalt  }
0x79: {  	_ =	shalt  }
0x7a: {  	_ =	shalt  }
0x7b: {  	_ =	shalt  }
0x7c: {  	_ =	shalt  }
0x7d: {  	_ =	shalt  }
0x7e: {  	_ =	shalt  }
0x7f: {  	_ =	shalt  }
0x80: {  	_ =	shalt  }
0x81: {  	_ =	shalt  }
0x82: {  	_ =	shalt  }
0x83: {  	_ =	shalt  }
0x84: {  	_ =	shalt  }
0x85: {  	_ =	shalt  }
0x86: {  	_ =	shalt  }
0x87: {  	_ =	shalt  }
.Lfunc_end0:
.L_simem_size_0:
called_computation_lowered:
.L_overlay_start_0:
0x88: {  	s2 =	sld [smem:$0x3FD9]  }
0x89: {  	s3 =	sld [smem:$0x3FFE];
	_ =	sdelay $0x1  }
0x8a: {  	s1 =	srdreg.scid  }
0x8b: {  	s0 =	sand.u32 $0x1, s1  }
0x8c: {  	s14 =	sshll.u32 s0, $0xA;
	s2 =	sadd.s32 s3, s2  }
0x8d: {  	s2 =	sadd.s32 s2, s14  }
0x8e: {  	[smem:$0x3FBC] =	sst s2  }
0x8f: {  	_ = 	snop  }
0x90: {  	s2 =	sld [smem:$0x3FD0];
	_ =	sdelay $0x2  }
0x91: {  	s4 =	simm.s32 $0xA;
	s5 =	simm.s32 $0x10;
	s15 =	sld [smem:$0x3FC7]  }
0x92: {  	[smem:s5], [sflag:s4] =	dma.local [hbm:s2], $0x1  }
0x93: {  	_ =	swait.eq [sflag:s4], $0x1  }
0x94: {  	[sflag:s4] =	ssyncset.done $0x0  }
0x95: {  	s16 =	sld [smem:$0x10];
	[sflag:s4] =	ssyncadd.s32 $0xFFFFFFFF  }
0x96: {  	s17 =	sld [smem:$0x11];
	(tm) =	ssettm $0x1  }
0x97: {  	s18 =	sld [smem:$0x3FFB];
	_ =	sdelay $0x3  }
0x98: {  	_ =	strace s18  }
0x99: {  	s5 =	sld [smem:$0x3FFC];
	_ =	sdelay $0x3  }
0x9a: {  	_ =	strace s5  }
0x9b: {  	s5 =	sld [smem:$0x3FFD];
	_ =	sdelay $0x3  }
0x9c: {  	_ =	strace s5  }
0x9d: {  	_ =	strace $0x8FFFFFFF  }
0x9e: {  	s19 =	sld [smem:$0x3FDB];
	_ =	sdelay $0x1  }
0x9f: {  	s6 =	simm.s32 $_scs_section_size  }
0xa0: {  	s7 =	simm.s32 $_size__tile_overlayer_lowered;
	s8 =	simm.s32 $_tile_overlayer_lowered  }
0xa1: {  	s22 =	simm.s32 $0x1BFF;
	s21 =	sshll.u32 s8, $0x1;
	s5 =	sadd.s32 s6, s19  }
0xa2: {  	s9 =	simm.s32 $0x0;
	s20 =	sshll.u32 s7, $0x1;
	s7 =	sadd.s32 s21, s5  }
0xa3: {  	[timem:s9], [sflag:s22] =	dma.local [hbm:s7], s20  }
0xa4: {  	_ =	swait.ge [sflag:s22], s20  }
0xa5: {  	s6 =	ssub.s32 $0x0, s20;
	[sflag:s22] =	ssyncset.done $0x0  }
0xa6: {  	[sflag:s22] =	ssyncadd.s32 s6;
	_ =	sdelay $0x1  }
0xa7: {  	s23 =	simm.s32 $0x1B8B  }
0xa8: {  	_ =	swait.ge [sflag:s23], $0x1  }
0xa9: {  	[sflag:s23] =	ssyncset.done $0x0  }
0xaa: {  	s25 =	simm.s32 $0x1B8E;
	s24 =	sld [smem:$0x3FFE];
	[sflag:s23] =	ssyncadd.s32 $0xFFFFFFFF  }
0xab: {  	s26 =	simm.s32 $execute0_lowered;
	[smem:$0x3FD2] =	sst s25  }
0xac: {  	s7 =	sshll.u32 s26, $0x1;
	_ =	strace $0x80000046;
	[dreg:$0x1] =	wrdreg $0xFFFFFFFF  }
0xad: {  	s28 =	simm.s32 $_size_execute0_lowered;
	s5 =	sadd.s32 s5, s7;
	[dreg:$0x0] =	wrdreg $0x0  }
0xae: {  	s7 =	sshll.u32 s28, $0x1;
	[dreg:$0x2] =	wrdreg s5  }
0xaf: {  	[dreg:$0x3] =	wrdreg s7  }
0xb0: {  	[dreg:$0x4] =	wrdreg $0xC0  }
0xb1: {  	_ =	task [dreg:s9], $0x5FFFF  }
0xb2: {  	[dreg:$0x1] =	wrdreg $0xFFFFFFFF  }
0xb3: {  	[dreg:$0x0] =	wrdreg $0x60  }
0xb4: {  	[dreg:$0x2] =	wrdreg s24  }
0xb5: {  	[dreg:$0x3] =	wrdreg s16  }
0xb6: {  	[dreg:$0x4] =	wrdreg s17  }
0xb7: {  	[dreg:$0x5] =	wrdreg s15  }
0xb8: {  	[dreg:$0x6] =	wrdreg $0x9  }
0xb9: {  	_ =	task.clear_ibuf [dreg:s9], $0x7FFFF;
	_ =	strace $0x90000046  }
0xba: {  	s29 =	simm.s32 $0x9;
	_ =	strace $0x80000048  }
0xbb: {  	_ =	swait.ge [sflag:s29], $0x1  }
0xbc: {  	[sflag:s29] =	ssyncadd.s32 $0xFFFFFFFF  }
0xbd: {  	_ =	strace $0x90000048  }
0xbe: {  	_ =	sfence  }
0xbf: {  	s30 =	sld [smem:$0x0];
	_ =	sdelay $0x2  }
0xc0: {  	s31 =	sshll.u32 s1, $0xD;
	s1 =	sshrl.u32 s1, $0x2  }
0xc1: {  	s3 =	sand.u32 $0x4000, s31;
	s1 =	sadd.s32 s1, s30  }
0xc2: {  	s0 =	sor.u32 s3, s0;
	s1 =	sshll.u32 s1, $0x11  }
0xc3: {  	s0 =	sor.u32 s1, s0  }
0xc4: {  	s0 =	sadd.s32 $0x8F2B, s0  }
0xc5: {  	[sflag:s0] =	ssyncadd.remote.s32 $0x1  }
0xc6: {  	_ =	sfence.sel $0xFFFF  }
0xc7: {  	[dreg:$0x0] =	wrdreg $0xFFFFFFFF;
	(pc) =	sbr.abs _section_cstart, $3  }
0xc8: {  	[dreg:$0x1] =	wrdreg $0xFFFFFFFF  }
0xc9: {  	_ =	task.clear_ibuf [dreg:s9], $0x2FFFF;
	_ =	strace $0x9FFFFFFF  }
0xca: {  	(tm) =	ssettm $0x7FFFFFFF  }
0xcb: {  	_ =	shalt  }
tec
execute0_lowered:
.L_overlay_start_1:
0x0: {  	(tag) =	ssettag $0x1  }
0x1: {  	s5 =	rddreg [dreg:$0x0]  }
0x2: {  	s7 =	rddreg [dreg:$0x1]  }
0x3: {  	s6 =	rddreg [dreg:$0x2]  }
0x4: {  	s1 =	rddreg [dreg:$0x3]  }
0x5: {  	s0 =	rddreg [dreg:$0x4];
	s3 =	simm.s32 $0x0;
	s2 =	stileid.u32  }
0x6: {  	s8 =	srdreg.scid;
	s17 =	simm.f32 $1.000000000e+00;
	s13 =	simm.s32 $0x2100  }
0x7: {  	s14 =	simm.s32 $0x2200;
	s15 =	simm.s32 $0x3;
	s18 =	simm.s32 $0x10  }
0x8: {  	s19 =	simm.s32 $0x2180;
	s20 =	simm.s32 $0x3200;
	s21 =	simm.s32 $0x0  }
0x9: {  	[smem:$0x7FF] =	sst s3;
	s4 =	sadd.s32 $0x1E00, s5;
	s5 =	sadd.s32 $0x3E00, s5  }
0xa: {  	s9 =	sshrl.u32 s2, $0x1;
	s8 =	sand.u32 $0x1, s8;
	s10 =	sshll.u32 s2, $0xA  }
0xb: {  	_ =	strace $0x80000047;
	s11 =	sshll.u32 s9, $0xB;
	s12 =	ssub.s32 $0x2, s8  }
0xc: {  	s8 =	sshll.u32 s8, $0x6;
	s30 =	sshll.u32 s9, $0x7;
	s16 =	sshll.u32 s9, $0x6  }
0xd: {  	p0 =	seq.s32 s9, $0x4;
	s31 =	sshll.u32 s9, $0x4;
	p1 =	seq.s32 s9, $0x0  }
0xe: {  	s10 =	ssub.s32 s10, s11;
	s29 =	sshrl.u32 s12, $0x1;
	s17 =	simm.s32 @!p0 $0x0  }
0xf: {  	s7 =	sadd.s32 s7, s31;
	p0 =	sne.s32 s9, $0x4;
	s9 =	simm.s32 $0x80  }
0x10: {  	v0 =	vlaneseq.u32;
	v2 =	vmov s16;
	s16 =	simm.s32 $0x4;
	s8 =	sor.u32 s8, s10;
	s11 =	ssub.s32 s12, s29  }
0x11: {  	v1 =	vmul.u32 $0x4, v0;
	s17 =	simm.s32 @p1 $0x3F800000;
	s10 =	simm.s32 $0x100;
	s8 =	sor.u32 s30, s8  }
0x12: {  	s12 =	simm.s32 $0x20;
	v3 =	vmov s17;
	s17 =	simm.s32 $0x1;
	s8 =	sshrl.u32 s8, $0x3  }
0x13: {  	v4 =	vor.u32 $0x1, v1;
	v5 =	vor.u32 $0x2, v1;
	v6 =	vor.u32 $0x3, v1;
	s6 =	sadd.s32 s6, s8;
	s8 =	smax.u32 s11, $0x1;
	s11 =	simm.s32 $0x2  }
.LBB2_1:
0x14: {  	[tilespmem:s3], [sflag:$0x2] =	stream.linear.gather [hbm4b:s6+s3], $0x40, $0x38;
	[tilespmem:$0x3A00] =	vst v63  }
0x15: {  	_ = 	snop  }
0x16: {  	[tilespmem:s9], [sflag:$0x3] =	stream.linear.gather [hbm4b:s7+s3], $0x80, $0x38;
	[tilespmem:$0x3A00] =	vst v63  }
0x17: {  	_ = 	snop  }
0x18: {  	[tilespmem:s10], [sflag:$0x4] =	stream.linear.gather [hbm4b:s1+s3], $0x2000, $0x38;
	[tilespmem:$0x3A00] =	vst v63  }
0x19: {  	_ =	swait.ge [sflag:s11], $0x40  }
0x1a: {  	[sflag:s11] =	ssyncset.done $0x0  }
0x1b: {  	[sflag:s11] =	ssyncadd.s32 $0xFFFFFFC0  }
0x1c: {  	v8 =	vld.idx.msk [tilespmem:v4+s3+$0x0], $0xffff  }
0x1d: {  	v9 =	vld.idx.msk [tilespmem:v6+s3+$0x0], $0xffff  }
0x1e: {  	v7 =	vld.idx.msk [tilespmem:v1+s3+$0x0], $0xffff;
	_ =	sdelay $0x2  }
0x1f: {  	v11 =	vadd.s32 v2, v8  }
0x20: {  	v10 =	vld.idx.msk [tilespmem:v5+s3+$0x0], $0xffff;
	[tilespmem:$0x2100] =	vst v11;
	v11 =	vadd.s32 v2, v9  }
0x21: {  	v12 =	vpsel p0, v8, v7;
	[tilespmem:$0x2110] =	vst v11;
	v11 =	vpsel p0, v7, v8  }
0x22: {  	v13 =	vand.u32 $0xFFFFFF80, v12;
	[tilespmem:s14], [sflag:$0x1] =	stream.indirect.gather [hbm4b:s4+s12], $0x80, s13, s12, $0xb8;
	v11 =	vshll.u32 v11, $0x7;
	[tilespmem:$0x3A00] =	vst v63  }
0x23: {  	v12 =	vand.u32 $0x7F, v12;
	_ =	swait.ge [sflag:s15], $0x80;
	v11 =	vadd.s32 v13, v11  }
0x24: {  	[sflag:s15] =	ssyncset.done $0x0;
	v11 =	vor.u32 v12, v11  }
0x25: {  	[sflag:s15] =	ssyncadd.s32 $0xFFFFFF80  }
0x26: {  	_ =	swait.ge [sflag:s16], $0x2000  }
0x27: {  	[sflag:s16] =	ssyncset.done $0x0  }
0x28: {  	[sflag:s16] =	ssyncadd.s32 $0xFFFFE000  }
0x29: {  	v11 =	vld.idx.msk [tilespmem:v11+s10+$0x0], $0xffff  }
0x2a: {  	v8 =	vadd.s32 $0x40, v8;
	_ =	sdelay $0x3  }
0x2b: {  	v11 =	vadd.f32 $-1.000000000e+00, v11  }
0x2c: {  	v8 =	vld.idx.msk [tilespmem:v8+s9+$0x0], $0xffff  }
0x2d: {  	v11 =	vmul.f32 v11, v3  }
0x2e: {  	v53 =	vld.idx.msk [tilespmem:v7+s9+$0x0], $0xffff  }
0x2f: {  	v11 =	vadd.f32 $1.000000000e+00, v11  }
0x30: {  	v54 =	vpsel p0, v10, v9;
	v14 =	vpsel p0, v9, v10  }
0x31: {  	v13 =	vshll.u32 v54, $0x7;
	v8 =	vmul.f32 v11, v8;
	v11 =	vand.u32 $0xFFFFFF80, v14  }
0x32: {  	v14 =	vand.u32 $0x7F, v14;
	v11 =	vadd.s32 v11, v13  }
0x33: {  	v8 =	vadd.f32 v8, v53;
	v11 =	vor.u32 v14, v11;
	_ =	sdelay $0x1  }
0x34: {  	v12 =	vmul.f32 $1.442695020e+00, v8;
	_ =	sdelay $0x1  }
0x35: {  	(erf) = vpow2.f32 v12  }
0x36: {  	v11 =	vld.idx.msk [tilespmem:v11+s10+$0x0], $0xffff  }
0x37: {  	v9 =	vadd.s32 $0x40, v9;
	_ =	sdelay $0x3  }
0x38: {  	v11 =	vadd.f32 $-1.000000000e+00, v11  }
0x39: {  	v9 =	vld.idx.msk [tilespmem:v9+s9+$0x0], $0xffff  }
0x3a: {  	v11 =	vmul.f32 v11, v3  }
0x3b: {  	v10 =	vld.idx.msk [tilespmem:v10+s9+$0x0], $0xffff;
	v12 =	vpop (erf)  }
0x3c: {  	v12 =	vadd.f32 $-1.000000000e+00, v12;
	v11 =	vadd.f32 $1.000000000e+00, v11;
	_ =	sdelay $0x1  }
0x3d: {  	v12 =	vmul.f32 $1.000000010e-01, v12;
	v9 =	vmul.f32 v11, v9  }
0x3e: {  	vm0 =	vge.f32 v8, $0.0e+00  }
0x3f: {  	v8 =	vsel vm0, v8, v12;
	v9 =	vadd.f32 v9, v10  }
0x40: {  	v8 =	vmul.f32 $1.442695020e+00, v8  }
0x41: {  	v10 =	vmul.f32 $1.442695020e+00, v9  }
0x42: {  	(erf) = vpow2.f32 v8  }
0x43: {  	(erf) = vpow2.f32 v10;
	_ =	sdelay $0x7  }
0x44: {  	v8 =	vpop (erf)  }
0x45: {  	v10 =	vpop (erf)  }
0x46: {  	v10 =	vadd.f32 $-1.000000000e+00, v10;
	_ =	sdelay $0x1  }
0x47: {  	v10 =	vmul.f32 $1.000000010e-01, v10  }
0x48: {  	vm0 =	vge.f32 v9, $0.0e+00  }
0x49: {  	v9 =	vsel vm0, v9, v10  }
0x4a: {  	v9 =	vmul.f32 $1.442695020e+00, v9;
	_ =	sdelay $0x1  }
0x4b: {  	(erf) = vpow2.f32 v9;
	_ =	sdelay $0x8  }
0x4c: {  	v9 =	vpop (erf)  }
0x4d: {  	v10 =	vadd.f32 v9, v8;
	_ =	sdelay $0x1  }
0x4e: {  	(erf) = vrcp.f32 v10;
	_ =	sdelay $0x8  }
0x4f: {  	v10 =	vpop (erf)  }
0x50: {  	v11 =	vmov s3;
	v8 =	vmul.f32 v10, v8  }
0x51: {  	vm0 =	veq.s32 v11, v0;
	v9 =	vmul.f32 v10, v9  }
0x52: {  	_ =	swait.ge [sflag:s17], $0x1000;
	v10 =	vnsel vm0, $0x0, v8  }
0x53: {  	v11 =	vnsel vm0, $0x0, v9;
	(xrf2) =	vadd.scan.msk.f32 $0xffff, v10  }
0x54: {  	(xrf2) =	vadd.scan.msk.f32 $0xffff, v11;
	_ =	sdelay $0x4  }
0x55: {  	[sflag:s17] =	ssyncset.done $0x0  }
0x56: {  	s23 =	simm.s32 $0x2A00;
	[sflag:s17] =	ssyncadd.s32 $0xFFFFF000  }
0x57: {  	v55 =	vld [tilespmem:s23+$0x0]  }
0x58: {  	v56 =	vld [tilespmem:s23+$0xFFFFF800]  }
0x59: {  	v10, _, _ =	vpop (xrf2)  }
0x5a: {  	v11, _, _ =	vpop (xrf2)  }
0x5b: {  	v10 =	vbroadcast v10, $0xF;
	v11 =	vbroadcast v11, $0xF;
	_ =	sdelay $0x1  }
0x5c: {  	v13 =	vmul.f32 v56, v10;
	v12 =	vmul.f32 v55, v11;
	_ =	sdelay $0x1  }
0x5d: {  	v12 =	vadd.f32 v12, v13  }
0x5e: {  	s22 =	simm.s32 $0x3240  }
0x5f: {  	[tilespmem:s22+$0xFFFFFFC0] =	vst v12  }
0x60: {  	v12 =	vld [tilespmem:s23+$0xFFFFF810]  }
0x61: {  	v57 =	vld [tilespmem:s23+$0x10];
	_ =	sdelay $0x4  }
0x62: {  	v12 =	vmul.f32 v12, v10;
	v13 =	vmul.f32 v57, v11;
	_ =	sdelay $0x1  }
0x63: {  	v12 =	vadd.f32 v13, v12;
	_ =	sdelay $0x1  }
0x64: {  	[tilespmem:s22+$0xFFFFFFD0] =	vst v12  }
0x65: {  	v12 =	vld [tilespmem:s23+$0xFFFFF820]  }
0x66: {  	v58 =	vld [tilespmem:s23+$0x20];
	_ =	sdelay $0x4  }
0x67: {  	v12 =	vmul.f32 v12, v10;
	v13 =	vmul.f32 v58, v11;
	_ =	sdelay $0x1  }
0x68: {  	v12 =	vadd.f32 v13, v12;
	_ =	sdelay $0x1  }
0x69: {  	[tilespmem:s22+$0xFFFFFFE0] =	vst v12  }
0x6a: {  	v12 =	vld [tilespmem:s23+$0x30]  }
0x6b: {  	v59 =	vld [tilespmem:s23+$0xFFFFF830];
	_ =	sdelay $0x4  }
0x6c: {  	v12 =	vmul.f32 v12, v11;
	v13 =	vmul.f32 v59, v10;
	_ =	sdelay $0x1  }
0x6d: {  	v12 =	vadd.f32 v12, v13;
	_ =	sdelay $0x1  }
0x6e: {  	[tilespmem:s22+$0xFFFFFFF0] =	vst v12  }
0x6f: {  	v12 =	vld [tilespmem:s23+$0xFFFFF840]  }
0x70: {  	v60 =	vld [tilespmem:s23+$0x40];
	_ =	sdelay $0x4  }
0x71: {  	v12 =	vmul.f32 v12, v10;
	v13 =	vmul.f32 v60, v11;
	_ =	sdelay $0x1  }
0x72: {  	v12 =	vadd.f32 v13, v12;
	_ =	sdelay $0x1  }
0x73: {  	[tilespmem:s22+$0x0] =	vst v12  }
0x74: {  	v12 =	vld [tilespmem:s23+$0xFFFFF850]  }
0x75: {  	v61 =	vld [tilespmem:s23+$0x50];
	_ =	sdelay $0x4  }
0x76: {  	v12 =	vmul.f32 v12, v10;
	v13 =	vmul.f32 v61, v11;
	_ =	sdelay $0x1  }
0x77: {  	v12 =	vadd.f32 v13, v12;
	_ =	sdelay $0x1  }
0x78: {  	[tilespmem:s22+$0x10] =	vst v12  }
0x79: {  	v12 =	vld [tilespmem:s23+$0xFFFFF860]  }
0x7a: {  	v62 =	vld [tilespmem:s23+$0x60];
	_ =	sdelay $0x4  }
0x7b: {  	v12 =	vmul.f32 v12, v10;
	v13 =	vmul.f32 v62, v11;
	_ =	sdelay $0x1  }
0x7c: {  	s24 =	simm.s32 $0x1;
	v12 =	vadd.f32 v13, v12  }
0x7d: {  	v63 =	vmov s24  }
0x7e: {  	s29 =	simm.s32 $0x2;
	s25 =	simm.s32 $0x3240;
	s24 =	simm.s32 $0x2A00;
	vm0 =	veq.s32 v63, v0;
	[tilespmem:s22+$0x20] =	vst v12  }
.LBB2_2:
0x7f: {  	s24 =	sadd.s32 $0x80, s24  }
0x80: {  	v12 =	vnsel vm0, $0x0, v8;
	v13 =	vnsel vm0, $0x0, v9;
	v14 =	vld [tilespmem:s23+$0xFFFFF870];
	s22 =	sadd.s32 $0x80, s22;
	s28 =	smov.u32 s29;
	s26 =	sadd.s32 $0x1, s29  }
0x81: {  	p1 =	sne.s32 s29, $0xF;
	(xrf2) =	vadd.scan.msk.f32 $0xffff, v12;
	v12 =	vld [tilespmem:s23+$0x70];
	s23 =	smov.u32 s24;
	_ =	sdelay $0x2  }
0x82: {  	(xrf2) =	vadd.scan.msk.f32 $0xffff, v13  }
0x83: {  	v10 =	vmul.f32 v14, v10  }
0x84: {  	v11 =	vmul.f32 v12, v11;
	_ =	sdelay $0x1  }
0x85: {  	v11 =	vadd.f32 v11, v10;
	_ =	sdelay $0x1  }
0x86: {  	[tilespmem:s25+$0x30] =	vst v11;
	s25 =	smov.u32 s22  }
0x87: {  	v12 =	vld [tilespmem:s24+$0x0];
	v10, _, _ =	vpop (xrf2)  }
0x88: {  	v13 =	vld [tilespmem:s24+$0xFFFFF800];
	_ =	sdelay $0x1  }
0x89: {  	v10 =	vbroadcast v10, $0xF;
	v11, _, _ =	vpop (xrf2)  }
0x8a: {  	v11 =	vbroadcast v11, $0xF;
	_ =	sdelay $0x1  }
0x8b: {  	v13 =	vmul.f32 v13, v10;
	v12 =	vmul.f32 v12, v11;
	_ =	sdelay $0x1  }
0x8c: {  	v12 =	vadd.f32 v12, v13;
	_ =	sdelay $0x1  }
0x8d: {  	[tilespmem:s22+$0xFFFFFFC0] =	vst v12  }
0x8e: {  	v12 =	vld [tilespmem:s24+$0xFFFFF810]  }
0x8f: {  	v13 =	vld [tilespmem:s24+$0x10];
	_ =	sdelay $0x3  }
0x90: {  	v12 =	vmul.f32 v12, v10  }
0x91: {  	v13 =	vmul.f32 v13, v11;
	_ =	sdelay $0x1  }
0x92: {  	v12 =	vadd.f32 v13, v12;
	_ =	sdelay $0x1  }
0x93: {  	[tilespmem:s22+$0xFFFFFFD0] =	vst v12  }
0x94: {  	v12 =	vld [tilespmem:s24+$0xFFFFF820]  }
0x95: {  	v13 =	vld [tilespmem:s24+$0x20];
	_ =	sdelay $0x3  }
0x96: {  	v12 =	vmul.f32 v12, v10  }
0x97: {  	v13 =	vmul.f32 v13, v11;
	_ =	sdelay $0x1  }
0x98: {  	v12 =	vadd.f32 v13, v12;
	_ =	sdelay $0x1  }
0x99: {  	[tilespmem:s22+$0xFFFFFFE0] =	vst v12  }
0x9a: {  	v12 =	vld [tilespmem:s24+$0x30]  }
0x9b: {  	v13 =	vld [tilespmem:s24+$0xFFFFF830];
	_ =	sdelay $0x3  }
0x9c: {  	v12 =	vmul.f32 v12, v11  }
0x9d: {  	v13 =	vmul.f32 v13, v10;
	_ =	sdelay $0x1  }
0x9e: {  	v12 =	vadd.f32 v12, v13;
	_ =	sdelay $0x1  }
0x9f: {  	[tilespmem:s22+$0xFFFFFFF0] =	vst v12  }
0xa0: {  	v12 =	vld [tilespmem:s24+$0xFFFFF840]  }
0xa1: {  	v13 =	vld [tilespmem:s24+$0x40];
	_ =	sdelay $0x3  }
0xa2: {  	v12 =	vmul.f32 v12, v10  }
0xa3: {  	v13 =	vmul.f32 v13, v11;
	_ =	sdelay $0x1  }
0xa4: {  	v12 =	vadd.f32 v13, v12;
	_ =	sdelay $0x1  }
0xa5: {  	[tilespmem:s22+$0x0] =	vst v12  }
0xa6: {  	v12 =	vld [tilespmem:s24+$0xFFFFF850]  }
0xa7: {  	v13 =	vld [tilespmem:s24+$0x50];
	_ =	sdelay $0x3  }
0xa8: {  	v12 =	vmul.f32 v12, v10  }
0xa9: {  	v13 =	vmul.f32 v13, v11;
	_ =	sdelay $0x1  }
0xaa: {  	v12 =	vadd.f32 v13, v12;
	_ =	sdelay $0x1  }
0xab: {  	[tilespmem:s22+$0x10] =	vst v12  }
0xac: {  	v12 =	vld [tilespmem:s24+$0xFFFFF860]  }
0xad: {  	v13 =	vld [tilespmem:s24+$0x60];
	_ =	sdelay $0x3  }
0xae: {  	v12 =	vmul.f32 v12, v10  }
.Ltmp0:
0xaf: {  	v13 =	vmul.f32 v13, v11;
	(pc) =	sbr.rel @p1 .LBB2_2-.Ltmp0, $4  }
0xb0: {  	_ = 	snop  }
0xb1: {  	v12 =	vadd.f32 v13, v12  }
0xb2: {  	v13 =	vmov s28  }
0xb3: {  	s29 =	smov.u32 s26;
	vm0 =	veq.s32 v13, v0;
	[tilespmem:s22+$0x20] =	vst v12  }
0xb4: {  	v12 =	vld [tilespmem:s23+$0xFFFFF870]  }
0xb5: {  	v13 =	vld [tilespmem:s23+$0x70]  }
0xb6: {  	v8 =	vnsel vm0, $0x0, v8  }
0xb7: {  	(xrf2) =	vadd.scan.msk.f32 $0xffff, v8;
	v8 =	vnsel vm0, $0x0, v9  }
0xb8: {  	(xrf2) =	vadd.scan.msk.f32 $0xffff, v8;
	_ =	sdelay $0x1  }
0xb9: {  	v8 =	vmul.f32 v12, v10;
	v53 =	vmul.f32 v13, v11;
	_ =	sdelay $0x1  }
0xba: {  	v8 =	vadd.f32 v53, v8;
	_ =	sdelay $0x1  }
0xbb: {  	s31 =	sadd.s32 $0x80, s24;
	[tilespmem:s25+$0x30] =	vst v8  }
0xbc: {  	v8 =	vld [tilespmem:s31+$0x0]  }
0xbd: {  	v54 =	vld [tilespmem:s31+$0xFFFFF800]  }
0xbe: {  	v55, _, _ =	vpop (xrf2)  }
0xbf: {  	v56, _, _ =	vpop (xrf2)  }
0xc0: {  	v10 =	vbroadcast v55, $0xF;
	v11 =	vbroadcast v56, $0xF;
	_ =	sdelay $0x1  }
0xc1: {  	v9 =	vmul.f32 v54, v10;
	v8 =	vmul.f32 v8, v11;
	_ =	sdelay $0x1  }
0xc2: {  	v8 =	vadd.f32 v8, v9  }
0xc3: {  	s22 =	sadd.s32 $0x80, s22  }
0xc4: {  	[tilespmem:s22+$0xFFFFFFC0] =	vst v8  }
0xc5: {  	v8 =	vld [tilespmem:s31+$0xFFFFF810]  }
0xc6: {  	v57 =	vld [tilespmem:s31+$0x10];
	_ =	sdelay $0x4  }
0xc7: {  	v8 =	vmul.f32 v8, v10;
	v9 =	vmul.f32 v57, v11;
	_ =	sdelay $0x1  }
0xc8: {  	v8 =	vadd.f32 v9, v8;
	_ =	sdelay $0x1  }
0xc9: {  	[tilespmem:s22+$0xFFFFFFD0] =	vst v8  }
0xca: {  	v8 =	vld [tilespmem:s31+$0xFFFFF820]  }
0xcb: {  	v58 =	vld [tilespmem:s31+$0x20];
	_ =	sdelay $0x4  }
0xcc: {  	v8 =	vmul.f32 v8, v10;
	v9 =	vmul.f32 v58, v11;
	_ =	sdelay $0x1  }
0xcd: {  	v8 =	vadd.f32 v9, v8;
	_ =	sdelay $0x1  }
0xce: {  	[tilespmem:s22+$0xFFFFFFE0] =	vst v8  }
0xcf: {  	v8 =	vld [tilespmem:s31+$0x30]  }
0xd0: {  	v59 =	vld [tilespmem:s31+$0xFFFFF830];
	_ =	sdelay $0x4  }
0xd1: {  	v8 =	vmul.f32 v8, v11;
	v9 =	vmul.f32 v59, v10;
	_ =	sdelay $0x1  }
0xd2: {  	v8 =	vadd.f32 v8, v9;
	_ =	sdelay $0x1  }
0xd3: {  	[tilespmem:s22+$0xFFFFFFF0] =	vst v8  }
0xd4: {  	v8 =	vld [tilespmem:s31+$0xFFFFF840]  }
0xd5: {  	v60 =	vld [tilespmem:s31+$0x40];
	_ =	sdelay $0x4  }
0xd6: {  	v8 =	vmul.f32 v8, v10;
	v9 =	vmul.f32 v60, v11;
	_ =	sdelay $0x1  }
0xd7: {  	v8 =	vadd.f32 v9, v8;
	_ =	sdelay $0x1  }
0xd8: {  	[tilespmem:s22+$0x0] =	vst v8  }
0xd9: {  	v8 =	vld [tilespmem:s31+$0xFFFFF850]  }
0xda: {  	v61 =	vld [tilespmem:s31+$0x50];
	_ =	sdelay $0x4  }
0xdb: {  	v8 =	vmul.f32 v8, v10;
	v9 =	vmul.f32 v61, v11;
	_ =	sdelay $0x1  }
0xdc: {  	v8 =	vadd.f32 v9, v8;
	_ =	sdelay $0x1  }
0xdd: {  	[tilespmem:s22+$0x10] =	vst v8  }
0xde: {  	v8 =	vld [tilespmem:s31+$0xFFFFF860]  }
0xdf: {  	v62 =	vld [tilespmem:s31+$0x60];
	_ =	sdelay $0x4  }
0xe0: {  	v8 =	vmul.f32 v8, v10;
	v9 =	vmul.f32 v62, v11;
	_ =	sdelay $0x1  }
0xe1: {  	v8 =	vadd.f32 v9, v8;
	_ =	sdelay $0x1  }
0xe2: {  	[tilespmem:s22+$0x20] =	vst v8  }
0xe3: {  	v8 =	vld [tilespmem:s31+$0xFFFFF870]  }
0xe4: {  	v63 =	vld [tilespmem:s31+$0x70];
	_ =	sdelay $0x4  }
0xe5: {  	v8 =	vmul.f32 v8, v10;
	v9 =	vmul.f32 v63, v11;
	_ =	sdelay $0x1  }
0xe6: {  	v8 =	vadd.f32 v9, v8  }
0xe7: {  	s21 =	sadd.s32 $0x1, s21  }
0xe8: {  	v7 =	vadd.s32 v2, v7;
	p1 =	sne.s32 s21, s8;
	[tilespmem:s22+$0x30] =	vst v8  }
.Ltmp1:
0xe9: {  	[tilespmem:$0x2180] =	vst v7;
	(pc) =	sbr.rel @p1 .LBB2_1-.Ltmp1, $4  }
0xea: {  	[hbm4b:s5+s18] =	stream.indirect.scatter [tilespmem:s20], [sflag:$0x1], $0x80, s19, s18, $0xb8;
	[tilespmem:$0x3A00] =	vst v63  }
0xeb: {  	_ =	swait.ge [sflag:s17], $0x800  }
0xec: {  	[sflag:s17] =	ssyncset.done $0x0  }
0xed: {  	[sflag:s17] =	ssyncadd.s32 $0xFFFFF800  }
0xee: {  	_ =	sfence.sel $0x180000  }
0xef: {  	[bflag:$0x0] =	sbarrier.arrive $0xFFFF  }
0xf0: {  	p0 =	sne.s32 s2, $0x0;
	_ =	strace $0x90000047  }
0xf1: {  	s0 =	sadd.s32 @!p0 $0x100000, s0;
	[bflag:$0x2] =	sbarrier.arrive $0xFFFF  }
0xf2: {  	[sflag:s0] =	ssyncadd.tile.s32 @!p0 $0x1;
	_ =	shalt  }
.Lfunc_end2:
_tile_overlayer_lowered:
.L_overlay_start_2:
0xf3: {  	(tag) =	ssettag $0x2  }
0xf4: {  	s0 =	rddreg [dreg:$0x0];
	s2 =	stileid.u32  }
0xf5: {  	s1 =	rddreg [dreg:$0x1];
	p0 =	sne.s32 s2, $0x0  }
0xf6: {  	s3 =	rddreg [dreg:$0x2];
	[bflag:$0x3] =	sbarrier.arrive $0xFFFF;
	s2 =	simm.s32 @!p0 $0x1C05  }
0xf7: {  	[timem:s3], [sflag:s2] =	dma.local @!p0 [hbm:s0], s1  }
0xf8: {  	s0 =	simm.s32 @!p0 $0x5  }
0xf9: {  	_ =	swait.ge @!p0 [sflag:s0], s1  }
0xfa: {  	s1 =	ssub.s32 @!p0 $0x0, s1;
	[sflag:s0] =	ssyncset.done @!p0 $0x0  }
0xfb: {  	[sflag:s0] =	ssyncadd.s32 @!p0 s1  }
0xfc: {  	[bflag:$0x3] =	sbarrier.arrive $0xFFFF  }
0xfd: {  	_ =	shalt  }

</sc_bundles>
